<compile_context>
chip_gen: v7x
topology: tpu7x:2x2x1
jax: 0.10.2.dev20260603
libtpu: 0.0.44.dev20260713+nightly
codegen_flags: <defaults>
</compile_context>

<pallas_src>
import functools

import jax
import jax.numpy as jnp
from jax import lax
from jax.experimental import pallas as pl
from jax.experimental.pallas import tpu as pltpu
from jax.experimental.pallas import tpu_sc as plsc

N = 10000
E = 320000
D = 128
G = 128
NCLS = 10
NP = 10240

NTILE = 16
NWORK = 32
EPW = E // NWORK
CH = 80
NCH = EPW // CH
RPT = NP // NTILE

_mesh = plsc.VectorSubcoreMesh(core_axis_name="c", subcore_axis_name="s")


@functools.partial(
    pl.kernel,
    mesh=_mesh,
    out_type=jax.ShapeDtypeStruct((2, NP), jnp.float32),
    scratch_types=[
        pltpu.VMEM((CH,), jnp.int32),
        pltpu.VMEM((CH,), jnp.float32),
        pltpu.VMEM((RPT,), jnp.float32),
        pltpu.VMEM_SHARED((NP,), jnp.float32),
    ],
)
def _deg_kernel(dst_hbm, out_hbm, didx_v, ones_v, zeros_v, acc_sh):
    cid = lax.axis_index("c")
    sid = lax.axis_index("s")

    def _fill(ref, n, val):
        def body(j, c):
            ref[pl.ds(j * 16, 16)] = jnp.full((16,), val, jnp.float32)
            return c
        lax.fori_loop(0, n // 16, body, 0)

    _fill(ones_v, CH, 1.0)
    _fill(zeros_v, RPT, 0.0)

    r0 = sid * RPT
    pltpu.sync_copy(zeros_v, acc_sh.at[pl.ds(r0, RPT)])
    plsc.subcore_barrier()

    e0 = (cid * NTILE + sid) * EPW

    def body(i, c):
        pltpu.sync_copy(dst_hbm.at[pl.ds(e0 + i * CH, CH)], didx_v)
        pltpu.sync_copy(ones_v, acc_sh.at[didx_v], add=True)
        return c

    lax.fori_loop(0, NCH, body, 0)
    plsc.subcore_barrier()
    pltpu.sync_copy(acc_sh.at[pl.ds(r0, RPT)], out_hbm.at[cid, pl.ds(r0, RPT)])


@functools.partial(
    pl.kernel,
    mesh=_mesh,
    out_type=jax.ShapeDtypeStruct((2, NP, D), jnp.float32),
    scratch_types=[
        pltpu.VMEM((CH,), jnp.int32),
        pltpu.VMEM((CH,), jnp.int32),
        pltpu.VMEM((CH, D), jnp.float32),
        pltpu.VMEM_SHARED((NP, D), jnp.float32),
        pltpu.SemaphoreType.DMA,
    ],
)
def _agg_kernel(hh_hbm, src_hbm, dst_hbm, out_hbm, sidx_v, didx_v, rows_v,
                acc_sh, sem):
    cid = lax.axis_index("c")
    sid = lax.axis_index("s")

    r0 = sid * RPT
    pltpu.sync_copy(hh_hbm.at[pl.ds(r0, RPT)], acc_sh.at[pl.ds(r0, RPT)])
    plsc.subcore_barrier()

    e0 = (cid * NTILE + sid) * EPW

    def body(i, c):
        base = e0 + i * CH
        pltpu.sync_copy(src_hbm.at[pl.ds(base, CH)], sidx_v)
        pltpu.sync_copy(dst_hbm.at[pl.ds(base, CH)], didx_v)
        pltpu.async_copy(hh_hbm.at[sidx_v], rows_v, sem).wait()
        pltpu.sync_copy(rows_v, acc_sh.at[didx_v], add=True)
        return c

    lax.fori_loop(0, NCH, body, 0)
    plsc.subcore_barrier()
    pltpu.sync_copy(acc_sh.at[pl.ds(r0, RPT)],
                    out_hbm.at[cid, pl.ds(r0, RPT)])


BR = 1280


def _lin1_body(x_ref, w_ref, deg_ref, out_ref):
    h = jnp.dot(x_ref[...], w_ref[...], preferred_element_type=jnp.float32)
    out_ref[...] = h * lax.rsqrt(deg_ref[...])


def _lin1(x_pad, W1, deg_col):
    return pl.pallas_call(
        _lin1_body,
        grid=(NP // BR,),
        in_specs=[
            pl.BlockSpec((BR, D), lambda i: (i, 0)),
            pl.BlockSpec((D, D), lambda i: (0, 0)),
            pl.BlockSpec((BR, 1), lambda i: (i, 0)),
        ],
        out_specs=pl.BlockSpec((BR, D), lambda i: (i, 0)),
        out_shape=jax.ShapeDtypeStruct((NP, D), jnp.float32),
    )(x_pad, W1, deg_col)


def _mid_body(p0_ref, p1_ref, hh_ref, deg_ref, b_ref, w_ref, out_ref):
    s = p0_ref[...] + p1_ref[...] - hh_ref[...]
    dinv = lax.rsqrt(deg_ref[...])
    h2 = jnp.maximum(dinv * s + b_ref[...], 0.0)
    out_ref[...] = jnp.dot(
        h2, w_ref[...], preferred_element_type=jnp.float32) * dinv


def _mid(p0, p1, hh1, deg_col, b1_row, W2):
    return pl.pallas_call(
        _mid_body,
        grid=(NP // BR,),
        in_specs=[
            pl.BlockSpec((BR, D), lambda i: (i, 0)),
            pl.BlockSpec((BR, D), lambda i: (i, 0)),
            pl.BlockSpec((BR, D), lambda i: (i, 0)),
            pl.BlockSpec((BR, 1), lambda i: (i, 0)),
            pl.BlockSpec((1, D), lambda i: (0, 0)),
            pl.BlockSpec((D, D), lambda i: (0, 0)),
        ],
        out_specs=pl.BlockSpec((BR, D), lambda i: (i, 0)),
        out_shape=jax.ShapeDtypeStruct((NP, D), jnp.float32),
    )(p0, p1, hh1, deg_col, b1_row, W2)


def _final_body(q0_ref, q1_ref, hh_ref, deg_ref, b_ref, batch_ref, wfc_ref,
                bfc_ref, out_ref):
    s = q0_ref[...] + q1_ref[...] - hh_ref[...]
    dinv = lax.rsqrt(deg_ref[...])
    t = jnp.maximum(dinv * s + b_ref[...], 0.0)
    g_iota = lax.broadcasted_iota(jnp.int32, (G, NP), 0)
    onehot_t = (batch_ref[...] == g_iota).astype(jnp.float32)
    sums = jnp.dot(onehot_t, t, preferred_element_type=jnp.float32)
    counts = jnp.dot(onehot_t, jnp.ones((NP, 1), jnp.float32),
                     preferred_element_type=jnp.float32)
    emb = sums / jnp.maximum(counts, 1.0)
    out_ref[...] = jnp.dot(
        emb, wfc_ref[...], preferred_element_type=jnp.float32) + bfc_ref[...]


def _final(q0, q1, hh2, deg_col, b2_row, batch_row, Wfc_pad, bfc_row):
    return pl.pallas_call(
        _final_body,
        out_shape=jax.ShapeDtypeStruct((G, G), jnp.float32),
    )(q0, q1, hh2, deg_col, b2_row, batch_row, Wfc_pad, bfc_row)


def kernel(x, edge_index, batch, W1, b1, W2, b2, Wfc, bfc):
    src = edge_index[0].astype(jnp.int32)
    dst = edge_index[1].astype(jnp.int32)
    x_pad = jnp.zeros((NP, D), jnp.float32).at[:N].set(x)
    batch_row = jnp.full((1, NP), -1, jnp.int32).at[0, :N].set(
        batch.astype(jnp.int32))

    degp = _deg_kernel(dst)
    deg_col = (1.0 + degp[0] + degp[1])[:, None]

    hh1 = _lin1(x_pad, W1, deg_col)
    p = _agg_kernel(hh1, src, dst)
    hh2 = _mid(p[0], p[1], hh1, deg_col, b1[None, :], W2)
    q = _agg_kernel(hh2, src, dst)

    Wfc_pad = jnp.zeros((D, G), jnp.float32).at[:, :NCLS].set(Wfc)
    bfc_row = jnp.zeros((1, G), jnp.float32).at[0, :NCLS].set(bfc)
    logits_pad = _final(q[0], q[1], hh2, deg_col, b2[None, :], batch_row,
                        Wfc_pad, bfc_row)
    return logits_pad[:, :NCLS]

# --- scband reference (transcript-rebuilt; emitter-appended) ---
"""Pipeline reference for scband-structure2-vec-8993661518205 (READ-ONLY COPY).

The authoritative reference and input builder live on the scoring server;
editing this copy changes nothing except your own understanding.
"""

import jax, jax.numpy as jnp
import numpy as np

N_NODES = 10000
N_EDGES = 320000
D_FEAT = 128
HIDDEN = 128
NUM_CLASSES = 10
NUM_GRAPHS = 128


def setup_inputs(seed: int = 0) -> dict:
    key = jax.random.key(seed)
    ks = jax.random.split(key, 10)
    x = jax.random.normal(ks[0], (N_NODES, D_FEAT), dtype=jnp.float32)
    edge_index = jax.random.randint(ks[1], (2, N_EDGES), 0, N_NODES, dtype=jnp.int64)
    batch = jnp.sort(jax.random.randint(ks[2], (N_NODES,), 0, NUM_GRAPHS, dtype=jnp.int64))
    s1 = 1.0 / np.sqrt(D_FEAT)
    s2 = 1.0 / np.sqrt(HIDDEN)
    W1 = jax.random.uniform(ks[3], (D_FEAT, HIDDEN), jnp.float32, -s1, s1)
    b1 = jnp.zeros((HIDDEN,), jnp.float32)
    W2 = jax.random.uniform(ks[4], (HIDDEN, HIDDEN), jnp.float32, -s2, s2)
    b2 = jnp.zeros((HIDDEN,), jnp.float32)
    Wfc = jax.random.uniform(ks[5], (HIDDEN, NUM_CLASSES), jnp.float32, -s2, s2)
    bfc = jax.random.uniform(ks[6], (NUM_CLASSES,), jnp.float32, -s2, s2)
    return {"x": x, "edge_index": edge_index, "batch": batch,
            "W1": W1, "b1": b1, "W2": W2, "b2": b2, "Wfc": Wfc, "bfc": bfc}


def _gcn_conv(x, edge_index, W, b):
    # PyG GCNConv: linear transform, add self-loops, symmetric normalization, scatter-add aggregate
    n = x.shape[0]
    h = x @ W
    loop = jnp.arange(n, dtype=edge_index.dtype)
    src = jnp.concatenate([edge_index[0], loop])
    dst = jnp.concatenate([edge_index[1], loop])
    deg = jnp.zeros((n,), h.dtype).at[dst].add(1.0)
    dinv = jnp.where(deg > 0, jax.lax.rsqrt(deg), 0.0)
    norm = dinv[src] * dinv[dst]
    msg = h[src] * norm[:, None]
    out = jnp.zeros_like(h).at[dst].add(msg)
    return out + b


def reference(x, edge_index, batch, W1, b1, W2, b2, Wfc, bfc):
    h = jax.nn.relu(_gcn_conv(x, edge_index, W1, b1))
    h = jax.nn.relu(_gcn_conv(h, edge_index, W2, b2))
    sums = jax.ops.segment_sum(h, batch, num_segments=NUM_GRAPHS)
    counts = jax.ops.segment_sum(jnp.ones((h.shape[0], 1), h.dtype), batch, num_segments=NUM_GRAPHS)
    graph_embedding = sums / jnp.clip(counts, 1.0, None)
    return graph_embedding @ Wfc + bfc

if __name__ == "__main__":
    import jax
    _d = setup_inputs()
    print(jax.jit(kernel)(*tuple(_d.values())))

</pallas_src>

<mosaic_0001>
#map = affine_map<(d0, d1) -> (0, 0)>
#map1 = affine_map<(d0, d1) -> (0)>
#map2 = affine_map<(d0, d1) -> (0, 0, 0)>
module attributes {stable_mosaic.version = 14 : i64} {
  func.func @_agg_kernel(%arg0: i32, %arg1: i32, %arg2: memref<10240x128xf32, #tpu.memory_space<hbm>>, %arg3: memref<320000xi32, #tpu.memory_space<hbm>>, %arg4: memref<320000xi32, #tpu.memory_space<hbm>>, %arg5: memref<2x10240x128xf32, #tpu.memory_space<hbm>>, %arg6: memref<80xi32, #tpu.memory_space<vmem>>, %arg7: memref<80xi32, #tpu.memory_space<vmem>>, %arg8: memref<80x128xf32, #tpu.memory_space<vmem>>, %arg9: memref<10240x128xf32, #tpu.memory_space<vmem_shared>>, %arg10: memref<!tpu.dma_semaphore, #tpu.memory_space<semaphore_mem>>) attributes {dimension_semantics = [#tpu.dimension_semantics<core_parallel>, #tpu.dimension_semantics<subcore_parallel>], iteration_bounds = array<i64: 2, 16>, scalar_prefetch = 0 : i64, scratch_operands = 5 : i64, tpu.core_type = #tpu.core_type<sc_vector_subcore>, window_params = [{transform_indices = #map}, {transform_indices = #map1}, {transform_indices = #map1}, {transform_indices = #map2}]} {
    %mul3A = arith.constant 640 : i32
    %mul3A_0 = arith.muli %arg1, %mul3A : i32
    "tpu.region"() ({
      %run_scoped3A = tpu.sem_alloc : memref<!tpu.dma_semaphore, #tpu.memory_space<semaphore_mem>>
      %dma_start3A = arith.constant 0 : i32
      %dma_start3A_11 = tpu.memref_slice %arg9[%mul3A_0, %dma_start3A] : memref<10240x128xf32, #tpu.memory_space<vmem_shared>> -> memref<640x128xf32, #tpu.memory_space<vmem_shared>>
      %dma_start3A_12 = arith.constant 0 : i32
      %dma_start3A_13 = tpu.memref_slice %arg2[%mul3A_0, %dma_start3A_12] : memref<10240x128xf32, #tpu.memory_space<hbm>> -> memref<640x128xf32, #tpu.memory_space<hbm>>
      tpu.enqueue_dma source(%dma_start3A_13 : memref<640x128xf32, #tpu.memory_space<hbm>>) target(%dma_start3A_11 : memref<640x128xf32, #tpu.memory_space<vmem_shared>>) target_semaphore(%run_scoped3A : memref<!tpu.dma_semaphore, #tpu.memory_space<semaphore_mem>>)
      %dma_wait3A = arith.constant 0 : i32
      %dma_wait3A_14 = tpu.memref_slice %arg9[%mul3A_0, %dma_wait3A] : memref<10240x128xf32, #tpu.memory_space<vmem_shared>> -> memref<640x128xf32, #tpu.memory_space<vmem_shared>>
      %dma_wait3A_15 = arith.constant 0 : i32
      %dma_wait3A_16 = tpu.memref_slice %arg2[%mul3A_0, %dma_wait3A_15] : memref<10240x128xf32, #tpu.memory_space<hbm>> -> memref<640x128xf32, #tpu.memory_space<hbm>>
      tpu.wait_dma2 semaphore(%run_scoped3A : memref<!tpu.dma_semaphore, #tpu.memory_space<semaphore_mem>>) src(%dma_wait3A_16 : memref<640x128xf32, #tpu.memory_space<hbm>>) dst(%dma_wait3A_14 : memref<640x128xf32, #tpu.memory_space<vmem_shared>>)
      tpu.yield
    }) : () -> ()
    %barrier3A = arith.constant 0 : index
    tpu.barrier barrier_id(%barrier3A)
    %mul3A_1 = arith.constant 16 : i32
    %mul3A_2 = arith.muli %arg0, %mul3A_1 : i32
    %add3A = arith.addi %mul3A_2, %arg1 : i32
    %mul3A_3 = arith.constant 10000 : i32
    %mul3A_4 = arith.muli %add3A, %mul3A_3 : i32
    %scan3A = arith.constant 0 : i32
    %scan3A_5 = arith.constant 0 : i32
    %scan3A_6 = arith.constant 125 : i32
    %scan3A_7 = arith.addi %scan3A_5, %scan3A_6 : i32
    %scan3A_8 = arith.constant 1 : i32
    scf.for %scan3A_11 = %scan3A_5 to %scan3A_7 step %scan3A_8  : i32 {
      %mul3A_12 = arith.constant 80 : i32
      %mul3A_13 = arith.muli %scan3A_11, %mul3A_12 : i32
      %add3A_14 = arith.addi %mul3A_4, %mul3A_13 : i32
      "tpu.region"() ({
        %run_scoped3A = tpu.sem_alloc : memref<!tpu.dma_semaphore, #tpu.memory_space<semaphore_mem>>
        %dma_start3A_19 = tpu.memref_slice %arg3[%add3A_14] : memref<320000xi32, #tpu.memory_space<hbm>> -> memref<80xi32, #tpu.memory_space<hbm>>
        %dma_start3A_20 = tpu.memref_slice %arg3[%add3A_14] : memref<320000xi32, #tpu.memory_space<hbm>> -> memref<80xi32, #tpu.memory_space<hbm>>
        tpu.enqueue_dma source(%dma_start3A_20 : memref<80xi32, #tpu.memory_space<hbm>>) target(%arg6 : memref<80xi32, #tpu.memory_space<vmem>>) target_semaphore(%run_scoped3A : memref<!tpu.dma_semaphore, #tpu.memory_space<semaphore_mem>>)
        %dma_wait3A_21 = tpu.memref_slice %arg3[%add3A_14] : memref<320000xi32, #tpu.memory_space<hbm>> -> memref<80xi32, #tpu.memory_space<hbm>>
        %dma_wait3A_22 = tpu.memref_slice %arg3[%add3A_14] : memref<320000xi32, #tpu.memory_space<hbm>> -> memref<80xi32, #tpu.memory_space<hbm>>
        tpu.wait_dma2 semaphore(%run_scoped3A : memref<!tpu.dma_semaphore, #tpu.memory_space<semaphore_mem>>) src(%dma_wait3A_22 : memref<80xi32, #tpu.memory_space<hbm>>) dst(%arg6 : memref<80xi32, #tpu.memory_space<vmem>>)
        tpu.yield
      }) : () -> ()
      "tpu.region"() ({
        %run_scoped3A = tpu.sem_alloc : memref<!tpu.dma_semaphore, #tpu.memory_space<semaphore_mem>>
        %dma_start3A_19 = tpu.memref_slice %arg4[%add3A_14] : memref<320000xi32, #tpu.memory_space<hbm>> -> memref<80xi32, #tpu.memory_space<hbm>>
        %dma_start3A_20 = tpu.memref_slice %arg4[%add3A_14] : memref<320000xi32, #tpu.memory_space<hbm>> -> memref<80xi32, #tpu.memory_space<hbm>>
        tpu.enqueue_dma source(%dma_start3A_20 : memref<80xi32, #tpu.memory_space<hbm>>) target(%arg7 : memref<80xi32, #tpu.memory_space<vmem>>) target_semaphore(%run_scoped3A : memref<!tpu.dma_semaphore, #tpu.memory_space<semaphore_mem>>)
        %dma_wait3A_21 = tpu.memref_slice %arg4[%add3A_14] : memref<320000xi32, #tpu.memory_space<hbm>> -> memref<80xi32, #tpu.memory_space<hbm>>
        %dma_wait3A_22 = tpu.memref_slice %arg4[%add3A_14] : memref<320000xi32, #tpu.memory_space<hbm>> -> memref<80xi32, #tpu.memory_space<hbm>>
        tpu.wait_dma2 semaphore(%run_scoped3A : memref<!tpu.dma_semaphore, #tpu.memory_space<semaphore_mem>>) src(%dma_wait3A_22 : memref<80xi32, #tpu.memory_space<hbm>>) dst(%arg7 : memref<80xi32, #tpu.memory_space<vmem>>)
        tpu.yield
      }) : () -> ()
      %dma_start3A = arith.constant 0 : i32
      %dma_start3A_15 = arith.constant 0 : i32
      %dma_start3A_16 = tpu.memref_slice %arg2[%dma_start3A, %dma_start3A_15] : memref<10240x128xf32, #tpu.memory_space<hbm>> -> memref<10240x128xf32, #tpu.memory_space<hbm>>
      tpu.enqueue_indirect_dma source(%dma_start3A_16 : memref<10240x128xf32, #tpu.memory_space<hbm>>) target(%arg8 : memref<80x128xf32, #tpu.memory_space<vmem>>) offsets(%arg6 : memref<80xi32, #tpu.memory_space<vmem>>) semaphore(%arg10 : memref<!tpu.dma_semaphore, #tpu.memory_space<semaphore_mem>>)
      %dma_wait3A = arith.constant 0 : i32
      %dma_wait3A_17 = arith.constant 0 : i32
      %dma_wait3A_18 = tpu.memref_slice %arg2[%dma_wait3A, %dma_wait3A_17] : memref<10240x128xf32, #tpu.memory_space<hbm>> -> memref<10240x128xf32, #tpu.memory_space<hbm>>
      tpu.wait_indirect_dma semaphore(%arg10 : memref<!tpu.dma_semaphore, #tpu.memory_space<semaphore_mem>>) src(%dma_wait3A_18 : memref<10240x128xf32, #tpu.memory_space<hbm>>) dst(%arg8 : memref<80x128xf32, #tpu.memory_space<vmem>>)
      "tpu.region"() ({
        %run_scoped3A = tpu.sem_alloc : memref<!tpu.dma_semaphore, #tpu.memory_space<semaphore_mem>>
        %dma_start3A_19 = arith.constant 0 : i32
        %dma_start3A_20 = arith.constant 0 : i32
        %dma_start3A_21 = tpu.memref_slice %arg9[%dma_start3A_19, %dma_start3A_20] : memref<10240x128xf32, #tpu.memory_space<vmem_shared>> -> memref<10240x128xf32, #tpu.memory_space<vmem_shared>>
        tpu.enqueue_indirect_dma source(%arg8 : memref<80x128xf32, #tpu.memory_space<vmem>>) target(%dma_start3A_21 : memref<10240x128xf32, #tpu.memory_space<vmem_shared>>) offsets(%arg7 : memref<80xi32, #tpu.memory_space<vmem>>) semaphore(%run_scoped3A : memref<!tpu.dma_semaphore, #tpu.memory_space<semaphore_mem>>) {add = true}
        %dma_wait3A_22 = arith.constant 0 : i32
        %dma_wait3A_23 = arith.constant 0 : i32
        %dma_wait3A_24 = tpu.memref_slice %arg9[%dma_wait3A_22, %dma_wait3A_23] : memref<10240x128xf32, #tpu.memory_space<vmem_shared>> -> memref<10240x128xf32, #tpu.memory_space<vmem_shared>>
        tpu.wait_indirect_dma semaphore(%run_scoped3A : memref<!tpu.dma_semaphore, #tpu.memory_space<semaphore_mem>>) src(%arg8 : memref<80x128xf32, #tpu.memory_space<vmem>>) dst(%dma_wait3A_24 : memref<10240x128xf32, #tpu.memory_space<vmem_shared>>)
        tpu.yield
      }) : () -> ()
    }
    %scan3A_9 = arith.constant 125 : i32
    %barrier3A_10 = arith.constant 0 : index
    tpu.barrier barrier_id(%barrier3A_10)
    "tpu.region"() ({
      %run_scoped3A = tpu.sem_alloc : memref<!tpu.dma_semaphore, #tpu.memory_space<semaphore_mem>>
      %dma_start3A = arith.constant 0 : i32
      %dma_start3A_11 = tpu.memref_slice %arg5[%arg0, %mul3A_0, %dma_start3A] : memref<2x10240x128xf32, #tpu.memory_space<hbm>> -> memref<1x640x128xf32, #tpu.memory_space<hbm>>
      %dma_start3A_12 = tpu.memref_squeeze %dma_start3A_11 : memref<1x640x128xf32, #tpu.memory_space<hbm>> -> memref<640x128xf32, #tpu.memory_space<hbm>>
      %dma_start3A_13 = arith.constant 0 : i32
      %dma_start3A_14 = tpu.memref_slice %arg9[%mul3A_0, %dma_start3A_13] : memref<10240x128xf32, #tpu.memory_space<vmem_shared>> -> memref<640x128xf32, #tpu.memory_space<vmem_shared>>
      tpu.enqueue_dma source(%dma_start3A_14 : memref<640x128xf32, #tpu.memory_space<vmem_shared>>) target(%dma_start3A_12 : memref<640x128xf32, #tpu.memory_space<hbm>>) target_semaphore(%run_scoped3A : memref<!tpu.dma_semaphore, #tpu.memory_space<semaphore_mem>>)
      %dma_wait3A = arith.constant 0 : i32
      %dma_wait3A_15 = tpu.memref_slice %arg5[%arg0, %mul3A_0, %dma_wait3A] : memref<2x10240x128xf32, #tpu.memory_space<hbm>> -> memref<1x640x128xf32, #tpu.memory_space<hbm>>
      %dma_wait3A_16 = tpu.memref_squeeze %dma_wait3A_15 : memref<1x640x128xf32, #tpu.memory_space<hbm>> -> memref<640x128xf32, #tpu.memory_space<hbm>>
      %dma_wait3A_17 = arith.constant 0 : i32
      %dma_wait3A_18 = tpu.memref_slice %arg9[%mul3A_0, %dma_wait3A_17] : memref<10240x128xf32, #tpu.memory_space<vmem_shared>> -> memref<640x128xf32, #tpu.memory_space<vmem_shared>>
      tpu.wait_dma2 semaphore(%run_scoped3A : memref<!tpu.dma_semaphore, #tpu.memory_space<semaphore_mem>>) src(%dma_wait3A_18 : memref<640x128xf32, #tpu.memory_space<vmem_shared>>) dst(%dma_wait3A_16 : memref<640x128xf32, #tpu.memory_space<hbm>>)
      tpu.yield
    }) : () -> ()
    return
  }
}

#map = affine_map<(d0, d1) -> (0, 0)>
#map1 = affine_map<(d0, d1) -> (0)>
#map2 = affine_map<(d0, d1) -> (0, 0, 0)>
module attributes {stable_mosaic.version = 14 : i64} {
  func.func @_agg_kernel(%arg0: i32, %arg1: i32, %arg2: memref<10240x128xf32, #tpu.memory_space<hbm>>, %arg3: memref<320000xi32, #tpu.memory_space<hbm>>, %arg4: memref<320000xi32, #tpu.memory_space<hbm>>, %arg5: memref<2x10240x128xf32, #tpu.memory_space<hbm>>, %arg6: memref<80xi32, #tpu.memory_space<vmem>>, %arg7: memref<80xi32, #tpu.memory_space<vmem>>, %arg8: memref<80x128xf32, #tpu.memory_space<vmem>>, %arg9: memref<10240x128xf32, #tpu.memory_space<vmem_shared>>, %arg10: memref<!tpu.dma_semaphore, #tpu.memory_space<semaphore_mem>>) attributes {dimension_semantics = [#tpu.dimension_semantics<core_parallel>, #tpu.dimension_semantics<subcore_parallel>], iteration_bounds = array<i64: 2, 16>, scalar_prefetch = 0 : i64, scratch_operands = 5 : i64, tpu.core_type = #tpu.core_type<sc_vector_subcore>, window_params = [{transform_indices = #map}, {transform_indices = #map1}, {transform_indices = #map1}, {transform_indices = #map2}]} {
    %mul3A = arith.constant 640 : i32
    %mul3A_0 = arith.muli %arg1, %mul3A : i32
    "tpu.region"() ({
      %run_scoped3A = tpu.sem_alloc : memref<!tpu.dma_semaphore, #tpu.memory_space<semaphore_mem>>
      %dma_start3A = arith.constant 0 : i32
      %dma_start3A_11 = tpu.memref_slice %arg9[%mul3A_0, %dma_start3A] : memref<10240x128xf32, #tpu.memory_space<vmem_shared>> -> memref<640x128xf32, #tpu.memory_space<vmem_shared>>
      %dma_start3A_12 = arith.constant 0 : i32
      %dma_start3A_13 = tpu.memref_slice %arg2[%mul3A_0, %dma_start3A_12] : memref<10240x128xf32, #tpu.memory_space<hbm>> -> memref<640x128xf32, #tpu.memory_space<hbm>>
      tpu.enqueue_dma source(%dma_start3A_13 : memref<640x128xf32, #tpu.memory_space<hbm>>) target(%dma_start3A_11 : memref<640x128xf32, #tpu.memory_space<vmem_shared>>) target_semaphore(%run_scoped3A : memref<!tpu.dma_semaphore, #tpu.memory_space<semaphore_mem>>)
      %dma_wait3A = arith.constant 0 : i32
      %dma_wait3A_14 = tpu.memref_slice %arg9[%mul3A_0, %dma_wait3A] : memref<10240x128xf32, #tpu.memory_space<vmem_shared>> -> memref<640x128xf32, #tpu.memory_space<vmem_shared>>
      %dma_wait3A_15 = arith.constant 0 : i32
      %dma_wait3A_16 = tpu.memref_slice %arg2[%mul3A_0, %dma_wait3A_15] : memref<10240x128xf32, #tpu.memory_space<hbm>> -> memref<640x128xf32, #tpu.memory_space<hbm>>
      tpu.wait_dma2 semaphore(%run_scoped3A : memref<!tpu.dma_semaphore, #tpu.memory_space<semaphore_mem>>) src(%dma_wait3A_16 : memref<640x128xf32, #tpu.memory_space<hbm>>) dst(%dma_wait3A_14 : memref<640x128xf32, #tpu.memory_space<vmem_shared>>)
      tpu.yield
    }) : () -> ()
    %barrier3A = arith.constant 0 : index
    tpu.barrier barrier_id(%barrier3A)
    %mul3A_1 = arith.constant 16 : i32
    %mul3A_2 = arith.muli %arg0, %mul3A_1 : i32
    %add3A = arith.addi %mul3A_2, %arg1 : i32
    %mul3A_3 = arith.constant 10000 : i32
    %mul3A_4 = arith.muli %add3A, %mul3A_3 : i32
    %scan3A = arith.constant 0 : i32
    %scan3A_5 = arith.constant 0 : i32
    %scan3A_6 = arith.constant 125 : i32
    %scan3A_7 = arith.addi %scan3A_5, %scan3A_6 : i32
    %scan3A_8 = arith.constant 1 : i32
    scf.for %scan3A_11 = %scan3A_5 to %scan3A_7 step %scan3A_8  : i32 {
      %mul3A_12 = arith.constant 80 : i32
      %mul3A_13 = arith.muli %scan3A_11, %mul3A_12 : i32
      %add3A_14 = arith.addi %mul3A_4, %mul3A_13 : i32
      "tpu.region"() ({
        %run_scoped3A = tpu.sem_alloc : memref<!tpu.dma_semaphore, #tpu.memory_space<semaphore_mem>>
        %dma_start3A_19 = tpu.memref_slice %arg3[%add3A_14] : memref<320000xi32, #tpu.memory_space<hbm>> -> memref<80xi32, #tpu.memory_space<hbm>>
        %dma_start3A_20 = tpu.memref_slice %arg3[%add3A_14] : memref<320000xi32, #tpu.memory_space<hbm>> -> memref<80xi32, #tpu.memory_space<hbm>>
        tpu.enqueue_dma source(%dma_start3A_20 : memref<80xi32, #tpu.memory_space<hbm>>) target(%arg6 : memref<80xi32, #tpu.memory_space<vmem>>) target_semaphore(%run_scoped3A : memref<!tpu.dma_semaphore, #tpu.memory_space<semaphore_mem>>)
        %dma_wait3A_21 = tpu.memref_slice %arg3[%add3A_14] : memref<320000xi32, #tpu.memory_space<hbm>> -> memref<80xi32, #tpu.memory_space<hbm>>
        %dma_wait3A_22 = tpu.memref_slice %arg3[%add3A_14] : memref<320000xi32, #tpu.memory_space<hbm>> -> memref<80xi32, #tpu.memory_space<hbm>>
        tpu.wait_dma2 semaphore(%run_scoped3A : memref<!tpu.dma_semaphore, #tpu.memory_space<semaphore_mem>>) src(%dma_wait3A_22 : memref<80xi32, #tpu.memory_space<hbm>>) dst(%arg6 : memref<80xi32, #tpu.memory_space<vmem>>)
        tpu.yield
      }) : () -> ()
      "tpu.region"() ({
        %run_scoped3A = tpu.sem_alloc : memref<!tpu.dma_semaphore, #tpu.memory_space<semaphore_mem>>
        %dma_start3A_19 = tpu.memref_slice %arg4[%add3A_14] : memref<320000xi32, #tpu.memory_space<hbm>> -> memref<80xi32, #tpu.memory_space<hbm>>
        %dma_start3A_20 = tpu.memref_slice %arg4[%add3A_14] : memref<320000xi32, #tpu.memory_space<hbm>> -> memref<80xi32, #tpu.memory_space<hbm>>
        tpu.enqueue_dma source(%dma_start3A_20 : memref<80xi32, #tpu.memory_space<hbm>>) target(%arg7 : memref<80xi32, #tpu.memory_space<vmem>>) target_semaphore(%run_scoped3A : memref<!tpu.dma_semaphore, #tpu.memory_space<semaphore_mem>>)
        %dma_wait3A_21 = tpu.memref_slice %arg4[%add3A_14] : memref<320000xi32, #tpu.memory_space<hbm>> -> memref<80xi32, #tpu.memory_space<hbm>>
        %dma_wait3A_22 = tpu.memref_slice %arg4[%add3A_14] : memref<320000xi32, #tpu.memory_space<hbm>> -> memref<80xi32, #tpu.memory_space<hbm>>
        tpu.wait_dma2 semaphore(%run_scoped3A : memref<!tpu.dma_semaphore, #tpu.memory_space<semaphore_mem>>) src(%dma_wait3A_22 : memref<80xi32, #tpu.memory_space<hbm>>) dst(%arg7 : memref<80xi32, #tpu.memory_space<vmem>>)
        tpu.yield
      }) : () -> ()
      %dma_start3A = arith.constant 0 : i32
      %dma_start3A_15 = arith.constant 0 : i32
      %dma_start3A_16 = tpu.memref_slice %arg2[%dma_start3A, %dma_start3A_15] : memref<10240x128xf32, #tpu.memory_space<hbm>> -> memref<10240x128xf32, #tpu.memory_space<hbm>>
      tpu.enqueue_indirect_dma source(%dma_start3A_16 : memref<10240x128xf32, #tpu.memory_space<hbm>>) target(%arg8 : memref<80x128xf32, #tpu.memory_space<vmem>>) offsets(%arg6 : memref<80xi32, #tpu.memory_space<vmem>>) semaphore(%arg10 : memref<!tpu.dma_semaphore, #tpu.memory_space<semaphore_mem>>)
      %dma_wait3A = arith.constant 0 : i32
      %dma_wait3A_17 = arith.constant 0 : i32
      %dma_wait3A_18 = tpu.memref_slice %arg2[%dma_wait3A, %dma_wait3A_17] : memref<10240x128xf32, #tpu.memory_space<hbm>> -> memref<10240x128xf32, #tpu.memory_space<hbm>>
      tpu.wait_indirect_dma semaphore(%arg10 : memref<!tpu.dma_semaphore, #tpu.memory_space<semaphore_mem>>) src(%dma_wait3A_18 : memref<10240x128xf32, #tpu.memory_space<hbm>>) dst(%arg8 : memref<80x128xf32, #tpu.memory_space<vmem>>)
      "tpu.region"() ({
        %run_scoped3A = tpu.sem_alloc : memref<!tpu.dma_semaphore, #tpu.memory_space<semaphore_mem>>
        %dma_start3A_19 = arith.constant 0 : i32
        %dma_start3A_20 = arith.constant 0 : i32
        %dma_start3A_21 = tpu.memref_slice %arg9[%dma_start3A_19, %dma_start3A_20] : memref<10240x128xf32, #tpu.memory_space<vmem_shared>> -> memref<10240x128xf32, #tpu.memory_space<vmem_shared>>
        tpu.enqueue_indirect_dma source(%arg8 : memref<80x128xf32, #tpu.memory_space<vmem>>) target(%dma_start3A_21 : memref<10240x128xf32, #tpu.memory_space<vmem_shared>>) offsets(%arg7 : memref<80xi32, #tpu.memory_space<vmem>>) semaphore(%run_scoped3A : memref<!tpu.dma_semaphore, #tpu.memory_space<semaphore_mem>>) {add = true}
        %dma_wait3A_22 = arith.constant 0 : i32
        %dma_wait3A_23 = arith.constant 0 : i32
        %dma_wait3A_24 = tpu.memref_slice %arg9[%dma_wait3A_22, %dma_wait3A_23] : memref<10240x128xf32, #tpu.memory_space<vmem_shared>> -> memref<10240x128xf32, #tpu.memory_space<vmem_shared>>
        tpu.wait_indirect_dma semaphore(%run_scoped3A : memref<!tpu.dma_semaphore, #tpu.memory_space<semaphore_mem>>) src(%arg8 : memref<80x128xf32, #tpu.memory_space<vmem>>) dst(%dma_wait3A_24 : memref<10240x128xf32, #tpu.memory_space<vmem_shared>>)
        tpu.yield
      }) : () -> ()
    }
    %scan3A_9 = arith.constant 125 : i32
    %barrier3A_10 = arith.constant 0 : index
    tpu.barrier barrier_id(%barrier3A_10)
    "tpu.region"() ({
      %run_scoped3A = tpu.sem_alloc : memref<!tpu.dma_semaphore, #tpu.memory_space<semaphore_mem>>
      %dma_start3A = arith.constant 0 : i32
      %dma_start3A_11 = tpu.memref_slice %arg5[%arg0, %mul3A_0, %dma_start3A] : memref<2x10240x128xf32, #tpu.memory_space<hbm>> -> memref<1x640x128xf32, #tpu.memory_space<hbm>>
      %dma_start3A_12 = tpu.memref_squeeze %dma_start3A_11 : memref<1x640x128xf32, #tpu.memory_space<hbm>> -> memref<640x128xf32, #tpu.memory_space<hbm>>
      %dma_start3A_13 = arith.constant 0 : i32
      %dma_start3A_14 = tpu.memref_slice %arg9[%mul3A_0, %dma_start3A_13] : memref<10240x128xf32, #tpu.memory_space<vmem_shared>> -> memref<640x128xf32, #tpu.memory_space<vmem_shared>>
      tpu.enqueue_dma source(%dma_start3A_14 : memref<640x128xf32, #tpu.memory_space<vmem_shared>>) target(%dma_start3A_12 : memref<640x128xf32, #tpu.memory_space<hbm>>) target_semaphore(%run_scoped3A : memref<!tpu.dma_semaphore, #tpu.memory_space<semaphore_mem>>)
      %dma_wait3A = arith.constant 0 : i32
      %dma_wait3A_15 = tpu.memref_slice %arg5[%arg0, %mul3A_0, %dma_wait3A] : memref<2x10240x128xf32, #tpu.memory_space<hbm>> -> memref<1x640x128xf32, #tpu.memory_space<hbm>>
      %dma_wait3A_16 = tpu.memref_squeeze %dma_wait3A_15 : memref<1x640x128xf32, #tpu.memory_space<hbm>> -> memref<640x128xf32, #tpu.memory_space<hbm>>
      %dma_wait3A_17 = arith.constant 0 : i32
      %dma_wait3A_18 = tpu.memref_slice %arg9[%mul3A_0, %dma_wait3A_17] : memref<10240x128xf32, #tpu.memory_space<vmem_shared>> -> memref<640x128xf32, #tpu.memory_space<vmem_shared>>
      tpu.wait_dma2 semaphore(%run_scoped3A : memref<!tpu.dma_semaphore, #tpu.memory_space<semaphore_mem>>) src(%dma_wait3A_18 : memref<640x128xf32, #tpu.memory_space<vmem_shared>>) dst(%dma_wait3A_16 : memref<640x128xf32, #tpu.memory_space<hbm>>)
      tpu.yield
    }) : () -> ()
    return
  }
}

#map = affine_map<(d0, d1) -> (0)>
#map1 = affine_map<(d0, d1) -> (0, 0)>
module attributes {stable_mosaic.version = 14 : i64} {
  func.func @_deg_kernel(%arg0: i32, %arg1: i32, %arg2: memref<320000xi32, #tpu.memory_space<hbm>>, %arg3: memref<2x10240xf32, #tpu.memory_space<hbm>>, %arg4: memref<80xi32, #tpu.memory_space<vmem>>, %arg5: memref<80xf32, #tpu.memory_space<vmem>>, %arg6: memref<640xf32, #tpu.memory_space<vmem>>, %arg7: memref<10240xf32, #tpu.memory_space<vmem_shared>>) attributes {dimension_semantics = [#tpu.dimension_semantics<core_parallel>, #tpu.dimension_semantics<subcore_parallel>], iteration_bounds = array<i64: 2, 16>, scalar_prefetch = 0 : i64, scratch_operands = 4 : i64, tpu.core_type = #tpu.core_type<sc_vector_subcore>, window_params = [{transform_indices = #map}, {transform_indices = #map1}]} {
    %scan3A = arith.constant 0 : i32
    %scan3A_0 = arith.constant 0 : i32
    %scan3A_1 = arith.constant 5 : i32
    %scan3A_2 = arith.addi %scan3A_0, %scan3A_1 : i32
    %scan3A_3 = arith.constant 1 : i32
    scf.for %scan3A_23 = %scan3A_0 to %scan3A_2 step %scan3A_3  : i32 {
      %broadcast_in_dim3A = arith.constant 1.000000e+00 : f32
      %broadcast_in_dim3A_24 = vector.broadcast %broadcast_in_dim3A : f32 to vector<16xf32>
      %mul3A_25 = arith.constant 16 : i32
      %mul3A_26 = arith.muli %scan3A_23, %mul3A_25 : i32
      %swap3A = arith.index_cast %mul3A_26 : i32 to index
      %swap3A_27 = tpu.vector_load %arg5[%swap3A] {strides = array<i32>} : memref<80xf32, #tpu.memory_space<vmem>>, vector<16xf32>,
      %swap3A_28 = vector.shape_cast %swap3A_27 : vector<16xf32> to vector<16xf32>
      %swap3A_29 = vector.shape_cast %broadcast_in_dim3A_24 : vector<16xf32> to vector<16xf32>
      tpu.vector_store %arg5[%swap3A], %swap3A_29 {strides = array<i32>} : memref<80xf32, #tpu.memory_space<vmem>>, vector<16xf32>,
    }
    %scan3A_4 = arith.constant 5 : i32
    %scan3A_5 = arith.constant 0 : i32
    %scan3A_6 = arith.constant 0 : i32
    %scan3A_7 = arith.constant 40 : i32
    %scan3A_8 = arith.addi %scan3A_6, %scan3A_7 : i32
    %scan3A_9 = arith.constant 1 : i32
    scf.for %scan3A_23 = %scan3A_6 to %scan3A_8 step %scan3A_9  : i32 {
      %broadcast_in_dim3A = arith.constant 0.000000e+00 : f32
      %broadcast_in_dim3A_24 = vector.broadcast %broadcast_in_dim3A : f32 to vector<16xf32>
      %mul3A_25 = arith.constant 16 : i32
      %mul3A_26 = arith.muli %scan3A_23, %mul3A_25 : i32
      %swap3A = arith.index_cast %mul3A_26 : i32 to index
      %swap3A_27 = tpu.vector_load %arg6[%swap3A] {strides = array<i32>} : memref<640xf32, #tpu.memory_space<vmem>>, vector<16xf32>,
      %swap3A_28 = vector.shape_cast %swap3A_27 : vector<16xf32> to vector<16xf32>
      %swap3A_29 = vector.shape_cast %broadcast_in_dim3A_24 : vector<16xf32> to vector<16xf32>
      tpu.vector_store %arg6[%swap3A], %swap3A_29 {strides = array<i32>} : memref<640xf32, #tpu.memory_space<vmem>>, vector<16xf32>,
    }
    %scan3A_10 = arith.constant 40 : i32
    %mul3A = arith.constant 640 : i32
    %mul3A_11 = arith.muli %arg1, %mul3A : i32
    "tpu.region"() ({
      %run_scoped3A = tpu.sem_alloc : memref<!tpu.dma_semaphore, #tpu.memory_space<semaphore_mem>>
      %dma_start3A = tpu.memref_slice %arg7[%mul3A_11] : memref<10240xf32, #tpu.memory_space<vmem_shared>> -> memref<640xf32, #tpu.memory_space<vmem_shared>>
      %dma_start3A_23 = tpu.memref_slice %arg7[%mul3A_11] : memref<10240xf32, #tpu.memory_space<vmem_shared>> -> memref<640xf32, #tpu.memory_space<vmem_shared>>
      tpu.enqueue_dma source(%arg6 : memref<640xf32, #tpu.memory_space<vmem>>) target(%dma_start3A_23 : memref<640xf32, #tpu.memory_space<vmem_shared>>) target_semaphore(%run_scoped3A : memref<!tpu.dma_semaphore, #tpu.memory_space<semaphore_mem>>)
      %dma_wait3A = tpu.memref_slice %arg7[%mul3A_11] : memref<10240xf32, #tpu.memory_space<vmem_shared>> -> memref<640xf32, #tpu.memory_space<vmem_shared>>
      %dma_wait3A_24 = tpu.memref_slice %arg7[%mul3A_11] : memref<10240xf32, #tpu.memory_space<vmem_shared>> -> memref<640xf32, #tpu.memory_space<vmem_shared>>
      tpu.wait_dma2 semaphore(%run_scoped3A : memref<!tpu.dma_semaphore, #tpu.memory_space<semaphore_mem>>) src(%arg6 : memref<640xf32, #tpu.memory_space<vmem>>) dst(%dma_wait3A_24 : memref<640xf32, #tpu.memory_space<vmem_shared>>)
      tpu.yield
    }) : () -> ()
    %barrier3A = arith.constant 0 : index
    tpu.barrier barrier_id(%barrier3A)
    %mul3A_12 = arith.constant 16 : i32
    %mul3A_13 = arith.muli %arg0, %mul3A_12 : i32
    %add3A = arith.addi %mul3A_13, %arg1 : i32
    %mul3A_14 = arith.constant 10000 : i32
    %mul3A_15 = arith.muli %add3A, %mul3A_14 : i32
    %scan3A_16 = arith.constant 0 : i32
    %scan3A_17 = arith.constant 0 : i32
    %scan3A_18 = arith.constant 125 : i32
    %scan3A_19 = arith.addi %scan3A_17, %scan3A_18 : i32
    %scan3A_20 = arith.constant 1 : i32
    scf.for %scan3A_23 = %scan3A_17 to %scan3A_19 step %scan3A_20  : i32 {
      %mul3A_24 = arith.constant 80 : i32
      %mul3A_25 = arith.muli %scan3A_23, %mul3A_24 : i32
      %add3A_26 = arith.addi %mul3A_15, %mul3A_25 : i32
      "tpu.region"() ({
        %run_scoped3A = tpu.sem_alloc : memref<!tpu.dma_semaphore, #tpu.memory_space<semaphore_mem>>
        %dma_start3A = tpu.memref_slice %arg2[%add3A_26] : memref<320000xi32, #tpu.memory_space<hbm>> -> memref<80xi32, #tpu.memory_space<hbm>>
        %dma_start3A_27 = tpu.memref_slice %arg2[%add3A_26] : memref<320000xi32, #tpu.memory_space<hbm>> -> memref<80xi32, #tpu.memory_space<hbm>>
        tpu.enqueue_dma source(%dma_start3A_27 : memref<80xi32, #tpu.memory_space<hbm>>) target(%arg4 : memref<80xi32, #tpu.memory_space<vmem>>) target_semaphore(%run_scoped3A : memref<!tpu.dma_semaphore, #tpu.memory_space<semaphore_mem>>)
        %dma_wait3A = tpu.memref_slice %arg2[%add3A_26] : memref<320000xi32, #tpu.memory_space<hbm>> -> memref<80xi32, #tpu.memory_space<hbm>>
        %dma_wait3A_28 = tpu.memref_slice %arg2[%add3A_26] : memref<320000xi32, #tpu.memory_space<hbm>> -> memref<80xi32, #tpu.memory_space<hbm>>
        tpu.wait_dma2 semaphore(%run_scoped3A : memref<!tpu.dma_semaphore, #tpu.memory_space<semaphore_mem>>) src(%dma_wait3A_28 : memref<80xi32, #tpu.memory_space<hbm>>) dst(%arg4 : memref<80xi32, #tpu.memory_space<vmem>>)
        tpu.yield
      }) : () -> ()
      "tpu.region"() ({
        %run_scoped3A = tpu.sem_alloc : memref<!tpu.dma_semaphore, #tpu.memory_space<semaphore_mem>>
        %dma_start3A = arith.constant 0 : i32
        %dma_start3A_27 = tpu.memref_slice %arg7[%dma_start3A] : memref<10240xf32, #tpu.memory_space<vmem_shared>> -> memref<10240xf32, #tpu.memory_space<vmem_shared>>
        tpu.enqueue_indirect_dma source(%arg5 : memref<80xf32, #tpu.memory_space<vmem>>) target(%dma_start3A_27 : memref<10240xf32, #tpu.memory_space<vmem_shared>>) offsets(%arg4 : memref<80xi32, #tpu.memory_space<vmem>>) semaphore(%run_scoped3A : memref<!tpu.dma_semaphore, #tpu.memory_space<semaphore_mem>>) {add = true}
        %dma_wait3A = arith.constant 0 : i32
        %dma_wait3A_28 = tpu.memref_slice %arg7[%dma_wait3A] : memref<10240xf32, #tpu.memory_space<vmem_shared>> -> memref<10240xf32, #tpu.memory_space<vmem_shared>>
        tpu.wait_indirect_dma semaphore(%run_scoped3A : memref<!tpu.dma_semaphore, #tpu.memory_space<semaphore_mem>>) src(%arg5 : memref<80xf32, #tpu.memory_space<vmem>>) dst(%dma_wait3A_28 : memref<10240xf32, #tpu.memory_space<vmem_shared>>)
        tpu.yield
      }) : () -> ()
    }
    %scan3A_21 = arith.constant 125 : i32
    %barrier3A_22 = arith.constant 0 : index
    tpu.barrier barrier_id(%barrier3A_22)
    "tpu.region"() ({
      %run_scoped3A = tpu.sem_alloc : memref<!tpu.dma_semaphore, #tpu.memory_space<semaphore_mem>>
      %dma_start3A = tpu.memref_slice %arg3[%arg0, %mul3A_11] : memref<2x10240xf32, #tpu.memory_space<hbm>> -> memref<1x640xf32, #tpu.memory_space<hbm>>
      %dma_start3A_23 = tpu.memref_squeeze %dma_start3A : memref<1x640xf32, #tpu.memory_space<hbm>> -> memref<640xf32, #tpu.memory_space<hbm>>
      %dma_start3A_24 = tpu.memref_slice %arg7[%mul3A_11] : memref<10240xf32, #tpu.memory_space<vmem_shared>> -> memref<640xf32, #tpu.memory_space<vmem_shared>>
      tpu.enqueue_dma source(%dma_start3A_24 : memref<640xf32, #tpu.memory_space<vmem_shared>>) target(%dma_start3A_23 : memref<640xf32, #tpu.memory_space<hbm>>) target_semaphore(%run_scoped3A : memref<!tpu.dma_semaphore, #tpu.memory_space<semaphore_mem>>)
      %dma_wait3A = tpu.memref_slice %arg3[%arg0, %mul3A_11] : memref<2x10240xf32, #tpu.memory_space<hbm>> -> memref<1x640xf32, #tpu.memory_space<hbm>>
      %dma_wait3A_25 = tpu.memref_squeeze %dma_wait3A : memref<1x640xf32, #tpu.memory_space<hbm>> -> memref<640xf32, #tpu.memory_space<hbm>>
      %dma_wait3A_26 = tpu.memref_slice %arg7[%mul3A_11] : memref<10240xf32, #tpu.memory_space<vmem_shared>> -> memref<640xf32, #tpu.memory_space<vmem_shared>>
      tpu.wait_dma2 semaphore(%run_scoped3A : memref<!tpu.dma_semaphore, #tpu.memory_space<semaphore_mem>>) src(%dma_wait3A_26 : memref<640xf32, #tpu.memory_space<vmem_shared>>) dst(%dma_wait3A_25 : memref<640xf32, #tpu.memory_space<hbm>>)
      tpu.yield
    }) : () -> ()
    return
  }
}

module attributes {stable_mosaic.version = 14 : i64} {
  func.func @_lin1_body(%arg0: i32, %arg1: memref<1280x128xf32, #tpu.memory_space<vmem>>, %arg2: memref<128x128xf32, #tpu.memory_space<vmem>>, %arg3: memref<1280x1xf32, #tpu.memory_space<vmem>>, %arg4: memref<1280x128xf32, #tpu.memory_space<vmem>>) attributes {dimension_semantics = [#tpu.dimension_semantics<arbitrary>], iteration_bounds = array<i64: 8>, scalar_prefetch = 0 : i64, scratch_operands = 0 : i64, tpu.core_type = #tpu.core_type<tc>, window_params = [{transform_indices = @transform_0, window_bounds = array<i64: 1280, 128>}, {pipeline_mode = #tpu.pipeline_mode<synchronous>, transform_indices = @transform_1, window_bounds = array<i64: 128, 128>}, {transform_indices = @transform_2, window_bounds = array<i64: 1280, 1>}, {transform_indices = @transform_3, window_bounds = array<i64: 1280, 128>}]} {
    %get3A = arith.constant 0 : index
    %get3A_0 = arith.constant 0 : index
    %get3A_1 = vector.load %arg1[%get3A, %get3A_0] : memref<1280x128xf32, #tpu.memory_space<vmem>>, vector<1280x128xf32>
    %get3A_2 = arith.constant 0 : index
    %get3A_3 = arith.constant 0 : index
    %get3A_4 = vector.load %arg2[%get3A_2, %get3A_3] : memref<128x128xf32, #tpu.memory_space<vmem>>, vector<128x128xf32>
    %dot_general3A = arith.constant dense<0.000000e+00> : vector<1280x128xf32>
    %dot_general3A_5 = tpu.matmul %get3A_1, %get3A_4, %dot_general3A {dimension_numbers = #tpu.dot_dimension_numbers<[1], [0], [0], [1], [0, 0, 1, 1], [], []>, transpose_lhs_hint = false} : vector<1280x128xf32>, vector<128x128xf32>, vector<1280x128xf32> -> vector<1280x128xf32>
    %get3A_6 = arith.constant 0 : index
    %get3A_7 = arith.constant 0 : index
    %get3A_8 = vector.load %arg3[%get3A_6, %get3A_7] : memref<1280x1xf32, #tpu.memory_space<vmem>>, vector<1280x1xf32>
    %rsqrt3A = math.rsqrt %get3A_8 : vector<1280x1xf32>
    %mul3A = vector.broadcast %rsqrt3A : vector<1280x1xf32> to vector<1280x128xf32>
    %mul3A_9 = arith.mulf %dot_general3A_5, %mul3A : vector<1280x128xf32>
    %swap3A = arith.constant 0 : index
    %swap3A_10 = arith.constant 0 : index
    %swap3A_11 = vector.load %arg4[%swap3A, %swap3A_10] : memref<1280x128xf32, #tpu.memory_space<vmem>>, vector<1280x128xf32>
    tpu.vector_store %arg4[%swap3A, %swap3A_10], %mul3A_9 {strides = array<i32>} : memref<1280x128xf32, #tpu.memory_space<vmem>>, vector<1280x128xf32>,
    return
  }
  func.func @transform_0(%arg0: i32) -> (i32, i32) {
    %c0_i32 = arith.constant 0 : i32
    %c0_i32_0 = arith.constant 0 : i32
    return %arg0, %c0_i32 : i32, i32
  }
  func.func @transform_1(%arg0: i32) -> (i32, i32) {
    %c0_i32 = arith.constant 0 : i32
    %c0_i32_0 = arith.constant 0 : i32
    %c0_i32_1 = arith.constant 0 : i32
    return %c0_i32, %c0_i32_0 : i32, i32
  }
  func.func @transform_2(%arg0: i32) -> (i32, i32) {
    %c0_i32 = arith.constant 0 : i32
    %c0_i32_0 = arith.constant 0 : i32
    return %arg0, %c0_i32 : i32, i32
  }
  func.func @transform_3(%arg0: i32) -> (i32, i32) {
    %c0_i32 = arith.constant 0 : i32
    %c0_i32_0 = arith.constant 0 : i32
    return %arg0, %c0_i32 : i32, i32
  }
}

module attributes {stable_mosaic.version = 14 : i64} {
  func.func @_mid_body(%arg0: i32, %arg1: memref<1280x128xf32, #tpu.memory_space<vmem>>, %arg2: memref<1280x128xf32, #tpu.memory_space<vmem>>, %arg3: memref<1280x128xf32, #tpu.memory_space<vmem>>, %arg4: memref<1280x1xf32, #tpu.memory_space<vmem>>, %arg5: memref<1x128xf32, #tpu.memory_space<vmem>>, %arg6: memref<128x128xf32, #tpu.memory_space<vmem>>, %arg7: memref<1280x128xf32, #tpu.memory_space<vmem>>) attributes {dimension_semantics = [#tpu.dimension_semantics<arbitrary>], iteration_bounds = array<i64: 8>, scalar_prefetch = 0 : i64, scratch_operands = 0 : i64, tpu.core_type = #tpu.core_type<tc>, window_params = [{transform_indices = @transform_0, window_bounds = array<i64: 1280, 128>}, {transform_indices = @transform_1, window_bounds = array<i64: 1280, 128>}, {transform_indices = @transform_2, window_bounds = array<i64: 1280, 128>}, {transform_indices = @transform_3, window_bounds = array<i64: 1280, 1>}, {pipeline_mode = #tpu.pipeline_mode<synchronous>, transform_indices = @transform_4, window_bounds = array<i64: 1, 128>}, {pipeline_mode = #tpu.pipeline_mode<synchronous>, transform_indices = @transform_5, window_bounds = array<i64: 128, 128>}, {transform_indices = @transform_6, window_bounds = array<i64: 1280, 128>}]} {
    %get3A = arith.constant 0 : index
    %get3A_0 = arith.constant 0 : index
    %get3A_1 = vector.load %arg1[%get3A, %get3A_0] : memref<1280x128xf32, #tpu.memory_space<vmem>>, vector<1280x128xf32>
    %get3A_2 = arith.constant 0 : index
    %get3A_3 = arith.constant 0 : index
    %get3A_4 = vector.load %arg2[%get3A_2, %get3A_3] : memref<1280x128xf32, #tpu.memory_space<vmem>>, vector<1280x128xf32>
    %add3A = arith.addf %get3A_1, %get3A_4 : vector<1280x128xf32>
    %get3A_5 = arith.constant 0 : index
    %get3A_6 = arith.constant 0 : index
    %get3A_7 = vector.load %arg3[%get3A_5, %get3A_6] : memref<1280x128xf32, #tpu.memory_space<vmem>>, vector<1280x128xf32>
    %sub3A = arith.subf %add3A, %get3A_7 : vector<1280x128xf32>
    %get3A_8 = arith.constant 0 : index
    %get3A_9 = arith.constant 0 : index
    %get3A_10 = vector.load %arg4[%get3A_8, %get3A_9] : memref<1280x1xf32, #tpu.memory_space<vmem>>, vector<1280x1xf32>
    %rsqrt3A = math.rsqrt %get3A_10 : vector<1280x1xf32>
    %mul3A = vector.broadcast %rsqrt3A : vector<1280x1xf32> to vector<1280x128xf32>
    %mul3A_11 = arith.mulf %mul3A, %sub3A : vector<1280x128xf32>
    %get3A_12 = arith.constant 0 : index
    %get3A_13 = arith.constant 0 : index
    %get3A_14 = vector.load %arg5[%get3A_12, %get3A_13] : memref<1x128xf32, #tpu.memory_space<vmem>>, vector<1x128xf32>
    %add3A_15 = vector.broadcast %get3A_14 : vector<1x128xf32> to vector<1280x128xf32>
    %add3A_16 = arith.addf %mul3A_11, %add3A_15 : vector<1280x128xf32>
    %max3A = arith.constant 0.000000e+00 : f32
    %max3A_17 = vector.broadcast %max3A : f32 to vector<1280x128xf32>
    %max3A_18 = arith.maximumf %add3A_16, %max3A_17 : vector<1280x128xf32>
    %get3A_19 = arith.constant 0 : index
    %get3A_20 = arith.constant 0 : index
    %get3A_21 = vector.load %arg6[%get3A_19, %get3A_20] : memref<128x128xf32, #tpu.memory_space<vmem>>, vector<128x128xf32>
    %dot_general3A = arith.constant dense<0.000000e+00> : vector<1280x128xf32>
    %dot_general3A_22 = tpu.matmul %max3A_18, %get3A_21, %dot_general3A {dimension_numbers = #tpu.dot_dimension_numbers<[1], [0], [0], [1], [0, 0, 1, 1], [], []>, transpose_lhs_hint = false} : vector<1280x128xf32>, vector<128x128xf32>, vector<1280x128xf32> -> vector<1280x128xf32>
    %mul3A_23 = vector.broadcast %rsqrt3A : vector<1280x1xf32> to vector<1280x128xf32>
    %mul3A_24 = arith.mulf %dot_general3A_22, %mul3A_23 : vector<1280x128xf32>
    %swap3A = arith.constant 0 : index
    %swap3A_25 = arith.constant 0 : index
    %swap3A_26 = vector.load %arg7[%swap3A, %swap3A_25] : memref<1280x128xf32, #tpu.memory_space<vmem>>, vector<1280x128xf32>
    tpu.vector_store %arg7[%swap3A, %swap3A_25], %mul3A_24 {strides = array<i32>} : memref<1280x128xf32, #tpu.memory_space<vmem>>, vector<1280x128xf32>,
    return
  }
  func.func @transform_0(%arg0: i32) -> (i32, i32) {
    %c0_i32 = arith.constant 0 : i32
    %c0_i32_0 = arith.constant 0 : i32
    return %arg0, %c0_i32 : i32, i32
  }
  func.func @transform_1(%arg0: i32) -> (i32, i32) {
    %c0_i32 = arith.constant 0 : i32
    %c0_i32_0 = arith.constant 0 : i32
    return %arg0, %c0_i32 : i32, i32
  }
  func.func @transform_2(%arg0: i32) -> (i32, i32) {
    %c0_i32 = arith.constant 0 : i32
    %c0_i32_0 = arith.constant 0 : i32
    return %arg0, %c0_i32 : i32, i32
  }
  func.func @transform_3(%arg0: i32) -> (i32, i32) {
    %c0_i32 = arith.constant 0 : i32
    %c0_i32_0 = arith.constant 0 : i32
    return %arg0, %c0_i32 : i32, i32
  }
  func.func @transform_4(%arg0: i32) -> (i32, i32) {
    %c0_i32 = arith.constant 0 : i32
    %c0_i32_0 = arith.constant 0 : i32
    %c0_i32_1 = arith.constant 0 : i32
    return %c0_i32, %c0_i32_0 : i32, i32
  }
  func.func @transform_5(%arg0: i32) -> (i32, i32) {
    %c0_i32 = arith.constant 0 : i32
    %c0_i32_0 = arith.constant 0 : i32
    %c0_i32_1 = arith.constant 0 : i32
    return %c0_i32, %c0_i32_0 : i32, i32
  }
  func.func @transform_6(%arg0: i32) -> (i32, i32) {
    %c0_i32 = arith.constant 0 : i32
    %c0_i32_0 = arith.constant 0 : i32
    return %arg0, %c0_i32 : i32, i32
  }
}

module attributes {stable_mosaic.version = 14 : i64} {
  func.func @_final_body(%arg0: memref<10240x128xf32, #tpu.memory_space<vmem>>, %arg1: memref<10240x128xf32, #tpu.memory_space<vmem>>, %arg2: memref<10240x128xf32, #tpu.memory_space<vmem>>, %arg3: memref<10240x1xf32, #tpu.memory_space<vmem>>, %arg4: memref<1x128xf32, #tpu.memory_space<vmem>>, %arg5: memref<1x10240xi32, #tpu.memory_space<vmem>>, %arg6: memref<128x128xf32, #tpu.memory_space<vmem>>, %arg7: memref<1x128xf32, #tpu.memory_space<vmem>>, %arg8: memref<128x128xf32, #tpu.memory_space<vmem>>) attributes {dimension_semantics = [], scalar_prefetch = 0 : i64, scratch_operands = 0 : i64, tpu.core_type = #tpu.core_type<tc>} {
    %get3A = arith.constant 0 : index
    %get3A_0 = arith.constant 0 : index
    %get3A_1 = vector.load %arg0[%get3A, %get3A_0] : memref<10240x128xf32, #tpu.memory_space<vmem>>, vector<10240x128xf32>
    %get3A_2 = arith.constant 0 : index
    %get3A_3 = arith.constant 0 : index
    %get3A_4 = vector.load %arg1[%get3A_2, %get3A_3] : memref<10240x128xf32, #tpu.memory_space<vmem>>, vector<10240x128xf32>
    %add3A = arith.addf %get3A_1, %get3A_4 : vector<10240x128xf32>
    %get3A_5 = arith.constant 0 : index
    %get3A_6 = arith.constant 0 : index
    %get3A_7 = vector.load %arg2[%get3A_5, %get3A_6] : memref<10240x128xf32, #tpu.memory_space<vmem>>, vector<10240x128xf32>
    %sub3A = arith.subf %add3A, %get3A_7 : vector<10240x128xf32>
    %get3A_8 = arith.constant 0 : index
    %get3A_9 = arith.constant 0 : index
    %get3A_10 = vector.load %arg3[%get3A_8, %get3A_9] : memref<10240x1xf32, #tpu.memory_space<vmem>>, vector<10240x1xf32>
    %rsqrt3A = math.rsqrt %get3A_10 : vector<10240x1xf32>
    %mul3A = vector.broadcast %rsqrt3A : vector<10240x1xf32> to vector<10240x128xf32>
    %mul3A_11 = arith.mulf %mul3A, %sub3A : vector<10240x128xf32>
    %get3A_12 = arith.constant 0 : index
    %get3A_13 = arith.constant 0 : index
    %get3A_14 = vector.load %arg4[%get3A_12, %get3A_13] : memref<1x128xf32, #tpu.memory_space<vmem>>, vector<1x128xf32>
    %add3A_15 = vector.broadcast %get3A_14 : vector<1x128xf32> to vector<10240x128xf32>
    %add3A_16 = arith.addf %mul3A_11, %add3A_15 : vector<10240x128xf32>
    %max3A = arith.constant 0.000000e+00 : f32
    %max3A_17 = vector.broadcast %max3A : f32 to vector<10240x128xf32>
    %max3A_18 = arith.maximumf %add3A_16, %max3A_17 : vector<10240x128xf32>
    %iota3A = tpu.iota {dimensions = array<i32: 0>} : vector<128x10240xi32>
    %get3A_19 = arith.constant 0 : index
    %get3A_20 = arith.constant 0 : index
    %get3A_21 = vector.load %arg5[%get3A_19, %get3A_20] : memref<1x10240xi32, #tpu.memory_space<vmem>>, vector<1x10240xi32>
    %eq3A = vector.broadcast %get3A_21 : vector<1x10240xi32> to vector<128x10240xi32>
    %eq3A_22 = arith.cmpi eq, %eq3A, %iota3A : vector<128x10240xi32>
    %convert_element_type3A = arith.extui %eq3A_22 : vector<128x10240xi1> to vector<128x10240xi32>
    %convert_element_type3A_23 = arith.sitofp %convert_element_type3A : vector<128x10240xi32> to vector<128x10240xf32>
    %dot_general3A = arith.constant dense<0.000000e+00> : vector<128x128xf32>
    %dot_general3A_24 = tpu.matmul %convert_element_type3A_23, %max3A_18, %dot_general3A {dimension_numbers = #tpu.dot_dimension_numbers<[1], [0], [0], [1], [0, 0, 1, 1], [], []>, transpose_lhs_hint = false} : vector<128x10240xf32>, vector<10240x128xf32>, vector<128x128xf32> -> vector<128x128xf32>
    %broadcast_in_dim3A = arith.constant 1.000000e+00 : f32
    %broadcast_in_dim3A_25 = vector.broadcast %broadcast_in_dim3A : f32 to vector<10240x1xf32>
    %dot_general3A_26 = arith.constant dense<0.000000e+00> : vector<128x1xf32>
    %dot_general3A_27 = tpu.matmul %convert_element_type3A_23, %broadcast_in_dim3A_25, %dot_general3A_26 {dimension_numbers = #tpu.dot_dimension_numbers<[1], [0], [0], [1], [0, 0, 1, 1], [], []>, transpose_lhs_hint = false} : vector<128x10240xf32>, vector<10240x1xf32>, vector<128x1xf32> -> vector<128x1xf32>
    %max3A_28 = arith.constant 1.000000e+00 : f32
    %max3A_29 = vector.broadcast %max3A_28 : f32 to vector<128x1xf32>
    %max3A_30 = arith.maximumf %dot_general3A_27, %max3A_29 : vector<128x1xf32>
    %div3A = vector.broadcast %max3A_30 : vector<128x1xf32> to vector<128x128xf32>
    %div3A_31 = arith.divf %dot_general3A_24, %div3A : vector<128x128xf32>
    %get3A_32 = arith.constant 0 : index
    %get3A_33 = arith.constant 0 : index
    %get3A_34 = vector.load %arg6[%get3A_32, %get3A_33] : memref<128x128xf32, #tpu.memory_space<vmem>>, vector<128x128xf32>
    %dot_general3A_35 = arith.constant dense<0.000000e+00> : vector<128x128xf32>
    %dot_general3A_36 = tpu.matmul %div3A_31, %get3A_34, %dot_general3A_35 {dimension_numbers = #tpu.dot_dimension_numbers<[1], [0], [0], [1], [0, 0, 1, 1], [], []>, transpose_lhs_hint = false} : vector<128x128xf32>, vector<128x128xf32>, vector<128x128xf32> -> vector<128x128xf32>
    %get3A_37 = arith.constant 0 : index
    %get3A_38 = arith.constant 0 : index
    %get3A_39 = vector.load %arg7[%get3A_37, %get3A_38] : memref<1x128xf32, #tpu.memory_space<vmem>>, vector<1x128xf32>
    %add3A_40 = vector.broadcast %get3A_39 : vector<1x128xf32> to vector<128x128xf32>
    %add3A_41 = arith.addf %dot_general3A_36, %add3A_40 : vector<128x128xf32>
    %swap3A = arith.constant 0 : index
    %swap3A_42 = arith.constant 0 : index
    %swap3A_43 = vector.load %arg8[%swap3A, %swap3A_42] : memref<128x128xf32, #tpu.memory_space<vmem>>, vector<128x128xf32>
    tpu.vector_store %arg8[%swap3A, %swap3A_42], %add3A_41 {strides = array<i32>} : memref<128x128xf32, #tpu.memory_space<vmem>>, vector<128x128xf32>,
    return
  }
}

</mosaic_0001>

<sc_bundles>
// kernel: kernel.11.cloned.1.call-start
scs
__scs_entry_jumppad:
0x0: {  	(pc) =	sbr.rel $0x88, $3  }
0x1: {  	(tag) =	ssettag $0x0;
	lr =	simm.s32 $0x1  }
0x2: {  	[smem:$0x3F98] =	sst lr;
	_ =	strace $0xD0000000  }
0x3: {  	_ = 	snop  }
0x4: {  	_ = 	snop  }
0x5: {  	_ = 	snop  }
0x6: {  	_ = 	snop  }
0x7: {  	_ = 	snop  }
__scs_overlays_trampoline_lowered:
0x8: {  	[smem:$0x3FA7] =	sst s0  }
0x9: {  	[smem:$0x3FA8] =	sst s1  }
0xa: {  	[smem:$0x3FA9] =	sst s2  }
0xb: {  	[smem:$0x3FAA] =	sst s3  }
0xc: {  	[smem:$0x3FAB] =	sst s4  }
0xd: {  	[smem:$0x3FAC] =	sst s5  }
0xe: {  	[smem:$0x3FAD] =	sst s6  }
0xf: {  	[smem:$0x3FAE] =	sst s7  }
0x10: {  	[smem:$0x3FAF] =	sst s8  }
0x11: {  	[smem:$0x3FB0] =	sst s9;
	s0 =	simm.s32 @!p0 $0x0  }
0x12: {  	s1 =	sld [smem:$0x3F96];
	s0 =	simm.s32 @p0 $0x1  }
0x13: {  	[smem:$0x3FB1] =	sst s0;
	s0 =	simm.s32 @!p1 $0x0  }
0x14: {  	s2 =	sld [smem:$0x3F95];
	s0 =	simm.s32 @p1 $0x1  }
0x15: {  	[smem:$0x3FB2] =	sst s0;
	s0 =	simm.s32 @!p2 $0x0  }
0x16: {  	s3 =	sld [smem:$0x3FDB];
	s0 =	simm.s32 @p2 $0x1  }
0x17: {  	s4 =	simm.s32 $0x1BF5;
	[smem:$0x3FB4] =	sst s0  }
0x18: {  	s0 =	sld [smem:$0x3F97];
	_ =	swait.ge [sflag:s4], $0x0  }
0x19: {  	s7 =	sld [smem:$0x3F98]  }
0x1a: {  	s8 =	sadd.s32 $0xFFFFE003, lr  }
0x1b: {  	s9 =	sadd.s32 $0xFFFFFEF7, lr;
	s5 =	simm.s32 $0xFFFFFFFF;
	p2 =	slt.u32 s8, $0xFFFFF086  }
0x1c: {  	p1 =	slt.u32 s9, $0xF7A;
	s5 =	simm.s32 @!p2 $0x0  }
0x1d: {  	s5 =	simm.s32 @p1 $0x1;
	p0 =	seq.s32 s7, s2  }
0x1e: {  	s7 =	smul.u32 @!p0 $0xF7A, s2;
	p2 =	seq.s32 @!p0 s5, $0x0  }
0x1f: {  	s9 =	smul.u32 $0xF7A, s1;
	s8 =	simm.s32 @!p0 $0x1BF5;
	p2 =	por !p2, p0  }
0x20: {  	[sflag:s8] =	ssyncset.s32 @!p0 $0xFFFFF086;
	s6 =	sadd.s32 @!p0 s3, s7;
	s7 =	simm.s32 @!p0 $0x108  }
0x21: {  	s3 =	sadd.s32 s3, s9;
	s6 =	sadd.s32 @!p0 $0x88, s6;
	s7 =	simm.s32 @p2 $0x1082  }
0x22: {  	[simem:s7], [sflag:s8] =	dma.local @!p0 [hbm:s6], $0xF7A  }
0x23: {  	s9 =	sor.u32 $0xD0000000, s2;
	s6 =	simm.s32 $0x108;
	_ =	swait.ge @!p0 [sflag:s8], $0x0  }
0x24: {  	s3 =	sadd.s32 $0x88, s3;
	s6 =	simm.s32 @!p1 $0x1082;
	[sflag:s4] =	ssyncset.s32 $0xFFFFF086  }
0x25: {  	[simem:s6], [sflag:s4] =	dma.local [hbm:s3], $0xF7A  }
0x26: {  	[smem:$0x3F98] =	sst s1;
	(tag) =	ssettag s2;
	_ =	strace s9  }
0x27: {  	s1 =	sld [smem:$0x3FA8]  }
0x28: {  	s2 =	sld [smem:$0x3FA9]  }
0x29: {  	s4 =	sld [smem:$0x3FAB]  }
0x2a: {  	p0 =	seq.s32 s5, $0x0;
	s5 =	sld [smem:$0x3FAC]  }
0x2b: {  	s6 =	sld [smem:$0x3FAD]  }
0x2c: {  	s7 =	sld [smem:$0x3FAE]  }
0x2d: {  	s3 =	simm.s32 $0x108;
	s8 =	sld [smem:$0x3FAF]  }
0x2e: {  	s3 =	simm.s32 @!p0 $0x1082;
	s9 =	sld [smem:$0x3FB0]  }
0x2f: {  	lr =	sadd.s32 s0, s3;
	s0 =	sld [smem:$0x3FA7]  }
0x30: {  	s3 =	sld [smem:$0x3FAA]  }
0x31: {  	[smem:$0x3FB3] =	sst s10  }
0x32: {  	s10 =	sld [smem:$0x3FB1];
	_ =	sdelay $0x3  }
0x33: {  	p0 =	seq.s32 s10, $0x1;
	s10 =	sld [smem:$0x3FB3];
	_ =	sdelay $0x3  }
0x34: {  	[smem:$0x3FB3] =	sst s10  }
0x35: {  	s10 =	sld [smem:$0x3FB2];
	_ =	sdelay $0x3  }
0x36: {  	p1 =	seq.s32 s10, $0x1;
	s10 =	sld [smem:$0x3FB3];
	_ =	sdelay $0x3  }
0x37: {  	[smem:$0x3FB3] =	sst s10  }
0x38: {  	s10 =	sld [smem:$0x3FB4]  }
0x39: {  	_ = 	snop;
	(pc) =	sbr.ind lr, $3  }
0x3a: {  	_ = 	snop  }
0x3b: {  	_ = 	snop  }
0x3c: {  	p2 =	seq.s32 s10, $0x1;
	s10 =	sld [smem:$0x3FB3]  }
0x3d: {  	_ =	shalt  }
0x3e: {  	_ =	shalt  }
0x3f: {  	_ =	shalt  }
0x40: {  	_ =	shalt  }
0x41: {  	_ =	shalt  }
0x42: {  	_ =	shalt  }
0x43: {  	_ =	shalt  }
0x44: {  	_ =	shalt  }
0x45: {  	_ =	shalt  }
0x46: {  	_ =	shalt  }
0x47: {  	_ =	shalt  }
0x48: {  	_ =	shalt  }
0x49: {  	_ =	shalt  }
0x4a: {  	_ =	shalt  }
0x4b: {  	_ =	shalt  }
0x4c: {  	_ =	shalt  }
0x4d: {  	_ =	shalt  }
0x4e: {  	_ =	shalt  }
0x4f: {  	_ =	shalt  }
0x50: {  	_ =	shalt  }
0x51: {  	_ =	shalt  }
0x52: {  	_ =	shalt  }
0x53: {  	_ =	shalt  }
0x54: {  	_ =	shalt  }
0x55: {  	_ =	shalt  }
0x56: {  	_ =	shalt  }
0x57: {  	_ =	shalt  }
0x58: {  	_ =	shalt  }
0x59: {  	_ =	shalt  }
0x5a: {  	_ =	shalt  }
0x5b: {  	_ =	shalt  }
0x5c: {  	_ =	shalt  }
0x5d: {  	_ =	shalt  }
0x5e: {  	_ =	shalt  }
0x5f: {  	_ =	shalt  }
0x60: {  	_ =	shalt  }
0x61: {  	_ =	shalt  }
0x62: {  	_ =	shalt  }
0x63: {  	_ =	shalt  }
0x64: {  	_ =	shalt  }
0x65: {  	_ =	shalt  }
0x66: {  	_ =	shalt  }
0x67: {  	_ =	shalt  }
0x68: {  	_ =	shalt  }
0x69: {  	_ =	shalt  }
0x6a: {  	_ =	shalt  }
0x6b: {  	_ =	shalt  }
0x6c: {  	_ =	shalt  }
0x6d: {  	_ =	shalt  }
0x6e: {  	_ =	shalt  }
0x6f: {  	_ =	shalt  }
0x70: {  	_ =	shalt  }
0x71: {  	_ =	shalt  }
0x72: {  	_ =	shalt  }
0x73: {  	_ =	shalt  }
0x74: {  	_ =	shalt  }
0x75: {  	_ =	shalt  }
0x76: {  	_ =	shalt  }
0x77: {  	_ =	shalt  }
0x78: {  	_ =	shalt  }
0x79: {  	_ =	shalt  }
0x7a: {  	_ =	shalt  }
0x7b: {  	_ =	shalt  }
0x7c: {  	_ =	shalt  }
0x7d: {  	_ =	shalt  }
0x7e: {  	_ =	shalt  }
0x7f: {  	_ =	shalt  }
0x80: {  	_ =	shalt  }
0x81: {  	_ =	shalt  }
0x82: {  	_ =	shalt  }
0x83: {  	_ =	shalt  }
0x84: {  	_ =	shalt  }
0x85: {  	_ =	shalt  }
0x86: {  	_ =	shalt  }
0x87: {  	_ =	shalt  }
.Lfunc_end0:
.L_simem_size_0:
called_computation.1_lowered:
.L_overlay_start_0:
0x88: {  	s2 =	sld [smem:$0x3FD9]  }
0x89: {  	s3 =	sld [smem:$0x3FFE];
	_ =	sdelay $0x1  }
0x8a: {  	s1 =	srdreg.scid  }
0x8b: {  	s0 =	sand.u32 $0x1, s1  }
0x8c: {  	s16 =	sshll.u32 s0, $0xA;
	s2 =	sadd.s32 s3, s2  }
0x8d: {  	s2 =	sadd.s32 s2, s16  }
0x8e: {  	[smem:$0x3FBF] =	sst s2  }
0x8f: {  	_ = 	snop  }
0x90: {  	(tm) =	ssettm $0x1  }
0x91: {  	s17 =	sld [smem:$0x3FFB];
	_ =	sdelay $0x3  }
0x92: {  	_ =	strace s17  }
0x93: {  	s2 =	sld [smem:$0x3FFC];
	_ =	sdelay $0x3  }
0x94: {  	_ =	strace s2  }
0x95: {  	s2 =	sld [smem:$0x3FFD];
	_ =	sdelay $0x3  }
0x96: {  	_ =	strace s2  }
0x97: {  	_ =	strace $0x8FFFFFFF  }
0x98: {  	s18 =	sld [smem:$0x3FDB];
	_ =	sdelay $0x1  }
0x99: {  	s19 =	simm.s32 $_scs_section_size  }
0x9a: {  	s4 =	simm.s32 $_size__tile_overlayer_lowered;
	s5 =	simm.s32 $_tile_overlayer_lowered  }
0x9b: {  	s22 =	simm.s32 $0x1BFF;
	s21 =	sshll.u32 s5, $0x1;
	s2 =	sadd.s32 s19, s18  }
0x9c: {  	s6 =	simm.s32 $0x0;
	s20 =	sshll.u32 s4, $0x1;
	s4 =	sadd.s32 s21, s2  }
0x9d: {  	[timem:s6], [sflag:s22] =	dma.local [hbm:s4], s20  }
0x9e: {  	_ =	swait.ge [sflag:s22], s20  }
0x9f: {  	s3 =	ssub.s32 $0x0, s20;
	[sflag:s22] =	ssyncset.done $0x0  }
0xa0: {  	[sflag:s22] =	ssyncadd.s32 s3;
	_ =	sdelay $0x1  }
0xa1: {  	s23 =	simm.s32 $0x1B8B  }
0xa2: {  	_ =	swait.ge [sflag:s23], $0x1  }
0xa3: {  	[sflag:s23] =	ssyncset.done $0x0  }
0xa4: {  	s25 =	simm.s32 $0x1B8E;
	s24 =	sld [smem:$0x3FFE];
	[sflag:s23] =	ssyncadd.s32 $0xFFFFFFFF  }
0xa5: {  	s26 =	simm.s32 $execute0_lowered;
	[smem:$0x3FD2] =	sst s25  }
0xa6: {  	s4 =	sshll.u32 s26, $0x1;
	_ =	strace $0x80000049;
	[dreg:$0x1] =	wrdreg $0xFFFFFFFF  }
0xa7: {  	s28 =	simm.s32 $_size_execute0_lowered;
	s2 =	sadd.s32 s2, s4;
	[dreg:$0x0] =	wrdreg $0x0  }
0xa8: {  	s4 =	sshll.u32 s28, $0x1;
	[dreg:$0x2] =	wrdreg s2  }
0xa9: {  	[dreg:$0x3] =	wrdreg s4  }
0xaa: {  	[dreg:$0x4] =	wrdreg $0xC0  }
0xab: {  	_ =	task [dreg:s6], $0x5FFFF  }
0xac: {  	[dreg:$0x1] =	wrdreg $0xFFFFFFFF  }
0xad: {  	[dreg:$0x0] =	wrdreg $0x60  }
0xae: {  	[dreg:$0x2] =	wrdreg s24  }
0xaf: {  	[dreg:$0x3] =	wrdreg $0x29000  }
0xb0: {  	[dreg:$0x4] =	wrdreg $0x9  }
0xb1: {  	_ =	task.clear_ibuf [dreg:s6], $0x5FFFF;
	_ =	strace $0x90000049  }
0xb2: {  	s29 =	simm.s32 $0x9;
	_ =	strace $0x8000004B  }
0xb3: {  	_ =	swait.ge [sflag:s29], $0x1  }
0xb4: {  	[sflag:s29] =	ssyncadd.s32 $0xFFFFFFFF  }
0xb5: {  	_ =	strace $0x9000004B  }
0xb6: {  	_ =	sfence  }
0xb7: {  	s30 =	sld [smem:$0x0];
	_ =	sdelay $0x2  }
0xb8: {  	s31 =	sshll.u32 s1, $0xD;
	s1 =	sshrl.u32 s1, $0x2  }
0xb9: {  	s3 =	sand.u32 $0x4000, s31;
	s1 =	sadd.s32 s1, s30  }
0xba: {  	s0 =	sor.u32 s3, s0;
	s1 =	sshll.u32 s1, $0x11  }
0xbb: {  	s0 =	sor.u32 s1, s0  }
0xbc: {  	s0 =	sadd.s32 $0x8F2B, s0  }
0xbd: {  	[sflag:s0] =	ssyncadd.remote.s32 $0x1  }
0xbe: {  	_ =	sfence.sel $0xFFFF  }
0xbf: {  	[dreg:$0x0] =	wrdreg $0xFFFFFFFF;
	(pc) =	sbr.abs _section_cstart, $3  }
0xc0: {  	[dreg:$0x1] =	wrdreg $0xFFFFFFFF  }
0xc1: {  	_ =	task.clear_ibuf [dreg:s6], $0x2FFFF;
	_ =	strace $0x9FFFFFFF  }
0xc2: {  	(tm) =	ssettm $0x7FFFFFFF  }
0xc3: {  	_ =	shalt  }
tec
execute0_lowered:
.L_overlay_start_1:
0x0: {  	(tag) =	ssettag $0x1  }
0x1: {  	s5 =	rddreg [dreg:$0x0]  }
0x2: {  	s0 =	srdreg.scid;
	s2 =	rddreg [dreg:$0x1]  }
0x3: {  	s1 =	rddreg [dreg:$0x2];
	s6 =	sand.u32 $0x1, s0  }
0x4: {  	s3 =	simm.s32 $0x0;
	s0 =	stileid.u32;
	s4 =	smul.u32 $0x27100, s6  }
0x5: {  	s13 =	simm.s32 $0x80;
	s14 =	simm.s32 $0x50;
	s7 =	smul.u32 $0x2710, s0  }
0x6: {  	s15 =	simm.s32 $0x100;
	s16 =	simm.s32 $0x1;
	s8 =	smul.u32 $0x14000, s0  }
0x7: {  	s17 =	simm.s32 $0x0;
	[smem:$0x7FF] =	sst s3;
	s9 =	smul.u32 $0x140000, s6  }
0x8: {  	_ =	strace $0x8000004A;
	s6 =	ssub.s32 $0x2, s6;
	s10 =	smul.u32 $0x50000, s0  }
0x9: {  	s31 =	sshll.u32 s0, $0x6;
	s26 =	sshrl.u32 s6, $0x1;
	s7 =	sadd.s32 s7, s4  }
0xa: {  	s4 =	sadd.s32 $0x3EC00, s5;
	s9 =	sadd.s32 s8, s9;
	s28 =	ssub.s32 s6, s26  }
0xb: {  	s29 =	sshrl.u32 s10, $0x2;
	s30 =	sshrl.u32 s8, $0x3;
	s6 =	sor.u32 $0x1C02, s31  }
0xc: {  	s7 =	sshrl.u32 s7, $0x3;
	s9 =	sshrl.u32 s9, $0x3;
	s12 =	sadd.s32 s29, s2  }
0xd: {  	s8 =	smax.u32 s28, $0x1;
	s11 =	sadd.s32 s7, s5;
	s25 =	sadd.s32 s9, s5  }
0xe: {  	s5 =	sadd.s32 s4, s30;
	s7 =	sadd.s32 $0x66C00, s25;
	s9 =	sadd.s32 $0xCE00, s11  }
0xf: {  	s10 =	sadd.s32 $0x3000, s11;
	s11 =	sshrl.u32 s12, $0x3;
	s12 =	simm.s32 $0x2  }
.LBB2_1:
0x10: {  	[spmem:s11], [sflag:s6] =	dma.local [hbm:s5], $0x2800  }
0x11: {  	_ =	swait.ge [sflag:s12], $0x2800  }
0x12: {  	[sflag:s12] =	ssyncset.done $0x0  }
0x13: {  	[sflag:s12] =	ssyncadd.s32 $0xFFFFD800  }
0x14: {  	s18 =	sadd.s32 $0x0, s10;
	[bflag:$0x0] =	sbarrier.arrive $0xFFFF  }
0x15: {  	[tilespmem:s3], [sflag:$0x2] =	stream.linear.gather [hbm4b:s18+s3], $0x50, $0x38;
	[tilespmem:$0x16900] =	vst v63  }
0x16: {  	_ =	swait.ge [sflag:s12], $0x50  }
0x17: {  	[sflag:s12] =	ssyncset.done $0x0  }
0x18: {  	s31 =	sadd.s32 $0x0, s9;
	[sflag:s12] =	ssyncadd.s32 $0xFFFFFFB0  }
0x19: {  	[tilespmem:s13], [sflag:$0x2] =	stream.linear.gather [hbm4b:s31+s3], $0x50, $0x38;
	[tilespmem:$0x16900] =	vst v63  }
0x1a: {  	_ =	swait.ge [sflag:s12], $0x50  }
0x1b: {  	[sflag:s12] =	ssyncset.done $0x0  }
0x1c: {  	[sflag:s12] =	ssyncadd.s32 $0xFFFFFFB0  }
0x1d: {  	[tilespmem:s15], [sflag:$0x1] =	stream.indirect.gather [hbm4b:s4+s14], $0x80, s3, s14, $0xb8;
	[tilespmem:$0x16900] =	vst v63  }
0x1e: {  	_ =	swait.ge [sflag:s16], $0x2800  }
0x1f: {  	[sflag:s16] =	ssyncset.done $0x0  }
0x20: {  	[sflag:s16] =	ssyncadd.s32 $0xFFFFD800  }
0x21: {  	[spmem:s2] =	stream.indirect.scatter.add.f32 [tilespmem:s15], [sflag:$0x2], $0x80, s13, s14, $0xb8;
	[tilespmem:$0x16900] =	vst v63  }
0x22: {  	_ =	swait.ge [sflag:s12], $0x2800  }
0x23: {  	s19 =	simm.s32 $0x14;
	s18 =	simm.s32 $0xA;
	[sflag:s12] =	ssyncset.done $0x0  }
.LBB2_2:
0x24: {  	s20 =	sadd.s32 s18, s10  }
0x25: {  	[sflag:s12] =	ssyncadd.s32 $0xFFFFD800;
	s21 =	smov.u32 s19;
	s22 =	sadd.s32 $0xA, s19  }
0x26: {  	[tilespmem:s3], [sflag:$0x2] =	stream.linear.gather [hbm4b:s20+s3], $0x50, $0x38;
	[tilespmem:$0x16900] =	vst v63  }
0x27: {  	p0 =	sne.s32 s19, $0x4D8;
	_ =	swait.ge [sflag:s12], $0x50  }
0x28: {  	[sflag:s12] =	ssyncset.done $0x0  }
0x29: {  	s19 =	sadd.s32 s18, s9;
	s18 =	smov.u32 s21;
	[sflag:s12] =	ssyncadd.s32 $0xFFFFFFB0  }
0x2a: {  	[tilespmem:s13], [sflag:$0x2] =	stream.linear.gather [hbm4b:s19+s3], $0x50, $0x38;
	[tilespmem:$0x16900] =	vst v63  }
0x2b: {  	_ =	swait.ge [sflag:s12], $0x50  }
0x2c: {  	[sflag:s12] =	ssyncset.done $0x0  }
0x2d: {  	[sflag:s12] =	ssyncadd.s32 $0xFFFFFFB0  }
0x2e: {  	[tilespmem:s15], [sflag:$0x1] =	stream.indirect.gather [hbm4b:s4+s14], $0x80, s3, s14, $0xb8;
	[tilespmem:$0x16900] =	vst v63  }
0x2f: {  	_ =	swait.ge [sflag:s16], $0x2800  }
.Ltmp0:
0x30: {  	[sflag:s16] =	ssyncset.done $0x0;
	(pc) =	sbr.rel @p0 .LBB2_2-.Ltmp0, $4  }
0x31: {  	[sflag:s16] =	ssyncadd.s32 $0xFFFFD800  }
0x32: {  	[spmem:s2] =	stream.indirect.scatter.add.f32 [tilespmem:s15], [sflag:$0x2], $0x80, s13, s14, $0xb8;
	[tilespmem:$0x16900] =	vst v63  }
0x33: {  	_ =	swait.ge [sflag:s12], $0x2800  }
0x34: {  	s19 =	smov.u32 s22;
	[sflag:s12] =	ssyncset.done $0x0  }
0x35: {  	s19 =	sadd.s32 s18, s10;
	[sflag:s12] =	ssyncadd.s32 $0xFFFFD800  }
0x36: {  	[tilespmem:s3], [sflag:$0x2] =	stream.linear.gather [hbm4b:s19+s3], $0x50, $0x38;
	[tilespmem:$0x16900] =	vst v63  }
0x37: {  	_ =	swait.ge [sflag:s12], $0x50  }
0x38: {  	[sflag:s12] =	ssyncset.done $0x0  }
0x39: {  	s31 =	sadd.s32 s18, s9;
	[sflag:s12] =	ssyncadd.s32 $0xFFFFFFB0  }
0x3a: {  	[tilespmem:s13], [sflag:$0x2] =	stream.linear.gather [hbm4b:s31+s3], $0x50, $0x38;
	[tilespmem:$0x16900] =	vst v63  }
0x3b: {  	_ =	swait.ge [sflag:s12], $0x50  }
0x3c: {  	[sflag:s12] =	ssyncset.done $0x0  }
0x3d: {  	[sflag:s12] =	ssyncadd.s32 $0xFFFFFFB0  }
0x3e: {  	[tilespmem:s15], [sflag:$0x1] =	stream.indirect.gather [hbm4b:s4+s14], $0x80, s3, s14, $0xb8;
	[tilespmem:$0x16900] =	vst v63  }
0x3f: {  	_ =	swait.ge [sflag:s16], $0x2800  }
0x40: {  	[sflag:s16] =	ssyncset.done $0x0  }
0x41: {  	[sflag:s16] =	ssyncadd.s32 $0xFFFFD800  }
0x42: {  	[spmem:s2] =	stream.indirect.scatter.add.f32 [tilespmem:s15], [sflag:$0x2], $0x80, s13, s14, $0xb8;
	[tilespmem:$0x16900] =	vst v63  }
0x43: {  	_ =	swait.ge [sflag:s12], $0x2800  }
0x44: {  	s17 =	sadd.s32 $0x1, s17;
	[sflag:s12] =	ssyncset.done $0x0  }
0x45: {  	p0 =	sne.s32 s17, s8;
	[sflag:s12] =	ssyncadd.s32 $0xFFFFD800  }
.Ltmp1:
0x46: {  	[bflag:$0x0] =	sbarrier.arrive $0xFFFF;
	(pc) =	sbr.rel @p0 .LBB2_1-.Ltmp1, $4  }
0x47: {  	[hbm:s7], [sflag:s6] =	dma.local [spmem:s11], $0x2800  }
0x48: {  	_ =	swait.ge [sflag:s12], $0x2800  }
0x49: {  	[sflag:s12] =	ssyncset.done $0x0  }
0x4a: {  	[sflag:s12] =	ssyncadd.s32 $0xFFFFD800  }
0x4b: {  	_ =	sfence.sel $0x180000  }
0x4c: {  	[bflag:$0x0] =	sbarrier.arrive $0xFFFF  }
0x4d: {  	p0 =	sne.s32 s0, $0x0;
	_ =	strace $0x9000004A  }
0x4e: {  	s0 =	sadd.s32 @!p0 $0x100000, s1;
	[bflag:$0x2] =	sbarrier.arrive $0xFFFF  }
0x4f: {  	[sflag:s0] =	ssyncadd.tile.s32 @!p0 $0x1;
	_ =	shalt  }
.Lfunc_end2:
_tile_overlayer_lowered:
.L_overlay_start_2:
0x50: {  	(tag) =	ssettag $0x2  }
0x51: {  	s0 =	rddreg [dreg:$0x0];
	s2 =	stileid.u32  }
0x52: {  	s1 =	rddreg [dreg:$0x1];
	p0 =	sne.s32 s2, $0x0  }
0x53: {  	s3 =	rddreg [dreg:$0x2];
	[bflag:$0x3] =	sbarrier.arrive $0xFFFF;
	s2 =	simm.s32 @!p0 $0x1C02  }
0x54: {  	[timem:s3], [sflag:s2] =	dma.local @!p0 [hbm:s0], s1  }
0x55: {  	s0 =	simm.s32 @!p0 $0x2  }
0x56: {  	_ =	swait.ge @!p0 [sflag:s0], s1  }
0x57: {  	s1 =	ssub.s32 @!p0 $0x0, s1;
	[sflag:s0] =	ssyncset.done @!p0 $0x0  }
0x58: {  	[sflag:s0] =	ssyncadd.s32 @!p0 s1  }
0x59: {  	[bflag:$0x3] =	sbarrier.arrive $0xFFFF  }
0x5a: {  	_ =	shalt  }

// kernel: kernel.14.cloned.1.call-start
scs
__scs_entry_jumppad:
0x0: {  	(pc) =	sbr.rel $0x88, $3  }
0x1: {  	(tag) =	ssettag $0x0;
	lr =	simm.s32 $0x1  }
0x2: {  	[smem:$0x3F98] =	sst lr;
	_ =	strace $0xD0000000  }
0x3: {  	_ = 	snop  }
0x4: {  	_ = 	snop  }
0x5: {  	_ = 	snop  }
0x6: {  	_ = 	snop  }
0x7: {  	_ = 	snop  }
__scs_overlays_trampoline_lowered:
0x8: {  	[smem:$0x3FA7] =	sst s0  }
0x9: {  	[smem:$0x3FA8] =	sst s1  }
0xa: {  	[smem:$0x3FA9] =	sst s2  }
0xb: {  	[smem:$0x3FAA] =	sst s3  }
0xc: {  	[smem:$0x3FAB] =	sst s4  }
0xd: {  	[smem:$0x3FAC] =	sst s5  }
0xe: {  	[smem:$0x3FAD] =	sst s6  }
0xf: {  	[smem:$0x3FAE] =	sst s7  }
0x10: {  	[smem:$0x3FAF] =	sst s8  }
0x11: {  	[smem:$0x3FB0] =	sst s9;
	s0 =	simm.s32 @!p0 $0x0  }
0x12: {  	s1 =	sld [smem:$0x3F96];
	s0 =	simm.s32 @p0 $0x1  }
0x13: {  	[smem:$0x3FB1] =	sst s0;
	s0 =	simm.s32 @!p1 $0x0  }
0x14: {  	s2 =	sld [smem:$0x3F95];
	s0 =	simm.s32 @p1 $0x1  }
0x15: {  	[smem:$0x3FB2] =	sst s0;
	s0 =	simm.s32 @!p2 $0x0  }
0x16: {  	s3 =	sld [smem:$0x3FDB];
	s0 =	simm.s32 @p2 $0x1  }
0x17: {  	s4 =	simm.s32 $0x1BF5;
	[smem:$0x3FB4] =	sst s0  }
0x18: {  	s0 =	sld [smem:$0x3F97];
	_ =	swait.ge [sflag:s4], $0x0  }
0x19: {  	s7 =	sld [smem:$0x3F98]  }
0x1a: {  	s8 =	sadd.s32 $0xFFFFE003, lr  }
0x1b: {  	s9 =	sadd.s32 $0xFFFFFEF7, lr;
	s5 =	simm.s32 $0xFFFFFFFF;
	p2 =	slt.u32 s8, $0xFFFFF086  }
0x1c: {  	p1 =	slt.u32 s9, $0xF7A;
	s5 =	simm.s32 @!p2 $0x0  }
0x1d: {  	s5 =	simm.s32 @p1 $0x1;
	p0 =	seq.s32 s7, s2  }
0x1e: {  	s7 =	smul.u32 @!p0 $0xF7A, s2;
	p2 =	seq.s32 @!p0 s5, $0x0  }
0x1f: {  	s9 =	smul.u32 $0xF7A, s1;
	s8 =	simm.s32 @!p0 $0x1BF5;
	p2 =	por !p2, p0  }
0x20: {  	[sflag:s8] =	ssyncset.s32 @!p0 $0xFFFFF086;
	s6 =	sadd.s32 @!p0 s3, s7;
	s7 =	simm.s32 @!p0 $0x108  }
0x21: {  	s3 =	sadd.s32 s3, s9;
	s6 =	sadd.s32 @!p0 $0x88, s6;
	s7 =	simm.s32 @p2 $0x1082  }
0x22: {  	[simem:s7], [sflag:s8] =	dma.local @!p0 [hbm:s6], $0xF7A  }
0x23: {  	s9 =	sor.u32 $0xD0000000, s2;
	s6 =	simm.s32 $0x108;
	_ =	swait.ge @!p0 [sflag:s8], $0x0  }
0x24: {  	s3 =	sadd.s32 $0x88, s3;
	s6 =	simm.s32 @!p1 $0x1082;
	[sflag:s4] =	ssyncset.s32 $0xFFFFF086  }
0x25: {  	[simem:s6], [sflag:s4] =	dma.local [hbm:s3], $0xF7A  }
0x26: {  	[smem:$0x3F98] =	sst s1;
	(tag) =	ssettag s2;
	_ =	strace s9  }
0x27: {  	s1 =	sld [smem:$0x3FA8]  }
0x28: {  	s2 =	sld [smem:$0x3FA9]  }
0x29: {  	s4 =	sld [smem:$0x3FAB]  }
0x2a: {  	p0 =	seq.s32 s5, $0x0;
	s5 =	sld [smem:$0x3FAC]  }
0x2b: {  	s6 =	sld [smem:$0x3FAD]  }
0x2c: {  	s7 =	sld [smem:$0x3FAE]  }
0x2d: {  	s3 =	simm.s32 $0x108;
	s8 =	sld [smem:$0x3FAF]  }
0x2e: {  	s3 =	simm.s32 @!p0 $0x1082;
	s9 =	sld [smem:$0x3FB0]  }
0x2f: {  	lr =	sadd.s32 s0, s3;
	s0 =	sld [smem:$0x3FA7]  }
0x30: {  	s3 =	sld [smem:$0x3FAA]  }
0x31: {  	[smem:$0x3FB3] =	sst s10  }
0x32: {  	s10 =	sld [smem:$0x3FB1];
	_ =	sdelay $0x3  }
0x33: {  	p0 =	seq.s32 s10, $0x1;
	s10 =	sld [smem:$0x3FB3];
	_ =	sdelay $0x3  }
0x34: {  	[smem:$0x3FB3] =	sst s10  }
0x35: {  	s10 =	sld [smem:$0x3FB2];
	_ =	sdelay $0x3  }
0x36: {  	p1 =	seq.s32 s10, $0x1;
	s10 =	sld [smem:$0x3FB3];
	_ =	sdelay $0x3  }
0x37: {  	[smem:$0x3FB3] =	sst s10  }
0x38: {  	s10 =	sld [smem:$0x3FB4]  }
0x39: {  	_ = 	snop;
	(pc) =	sbr.ind lr, $3  }
0x3a: {  	_ = 	snop  }
0x3b: {  	_ = 	snop  }
0x3c: {  	p2 =	seq.s32 s10, $0x1;
	s10 =	sld [smem:$0x3FB3]  }
0x3d: {  	_ =	shalt  }
0x3e: {  	_ =	shalt  }
0x3f: {  	_ =	shalt  }
0x40: {  	_ =	shalt  }
0x41: {  	_ =	shalt  }
0x42: {  	_ =	shalt  }
0x43: {  	_ =	shalt  }
0x44: {  	_ =	shalt  }
0x45: {  	_ =	shalt  }
0x46: {  	_ =	shalt  }
0x47: {  	_ =	shalt  }
0x48: {  	_ =	shalt  }
0x49: {  	_ =	shalt  }
0x4a: {  	_ =	shalt  }
0x4b: {  	_ =	shalt  }
0x4c: {  	_ =	shalt  }
0x4d: {  	_ =	shalt  }
0x4e: {  	_ =	shalt  }
0x4f: {  	_ =	shalt  }
0x50: {  	_ =	shalt  }
0x51: {  	_ =	shalt  }
0x52: {  	_ =	shalt  }
0x53: {  	_ =	shalt  }
0x54: {  	_ =	shalt  }
0x55: {  	_ =	shalt  }
0x56: {  	_ =	shalt  }
0x57: {  	_ =	shalt  }
0x58: {  	_ =	shalt  }
0x59: {  	_ =	shalt  }
0x5a: {  	_ =	shalt  }
0x5b: {  	_ =	shalt  }
0x5c: {  	_ =	shalt  }
0x5d: {  	_ =	shalt  }
0x5e: {  	_ =	shalt  }
0x5f: {  	_ =	shalt  }
0x60: {  	_ =	shalt  }
0x61: {  	_ =	shalt  }
0x62: {  	_ =	shalt  }
0x63: {  	_ =	shalt  }
0x64: {  	_ =	shalt  }
0x65: {  	_ =	shalt  }
0x66: {  	_ =	shalt  }
0x67: {  	_ =	shalt  }
0x68: {  	_ =	shalt  }
0x69: {  	_ =	shalt  }
0x6a: {  	_ =	shalt  }
0x6b: {  	_ =	shalt  }
0x6c: {  	_ =	shalt  }
0x6d: {  	_ =	shalt  }
0x6e: {  	_ =	shalt  }
0x6f: {  	_ =	shalt  }
0x70: {  	_ =	shalt  }
0x71: {  	_ =	shalt  }
0x72: {  	_ =	shalt  }
0x73: {  	_ =	shalt  }
0x74: {  	_ =	shalt  }
0x75: {  	_ =	shalt  }
0x76: {  	_ =	shalt  }
0x77: {  	_ =	shalt  }
0x78: {  	_ =	shalt  }
0x79: {  	_ =	shalt  }
0x7a: {  	_ =	shalt  }
0x7b: {  	_ =	shalt  }
0x7c: {  	_ =	shalt  }
0x7d: {  	_ =	shalt  }
0x7e: {  	_ =	shalt  }
0x7f: {  	_ =	shalt  }
0x80: {  	_ =	shalt  }
0x81: {  	_ =	shalt  }
0x82: {  	_ =	shalt  }
0x83: {  	_ =	shalt  }
0x84: {  	_ =	shalt  }
0x85: {  	_ =	shalt  }
0x86: {  	_ =	shalt  }
0x87: {  	_ =	shalt  }
.Lfunc_end0:
.L_simem_size_0:
called_computation.2_lowered:
.L_overlay_start_0:
0x88: {  	s2 =	sld [smem:$0x3FD9]  }
0x89: {  	s3 =	sld [smem:$0x3FFE];
	_ =	sdelay $0x1  }
0x8a: {  	s1 =	srdreg.scid  }
0x8b: {  	s0 =	sand.u32 $0x1, s1  }
0x8c: {  	s16 =	sshll.u32 s0, $0xA;
	s2 =	sadd.s32 s3, s2  }
0x8d: {  	s2 =	sadd.s32 s2, s16  }
0x8e: {  	[smem:$0x3FBF] =	sst s2  }
0x8f: {  	_ = 	snop  }
0x90: {  	(tm) =	ssettm $0x1  }
0x91: {  	s17 =	sld [smem:$0x3FFB];
	_ =	sdelay $0x3  }
0x92: {  	_ =	strace s17  }
0x93: {  	s2 =	sld [smem:$0x3FFC];
	_ =	sdelay $0x3  }
0x94: {  	_ =	strace s2  }
0x95: {  	s2 =	sld [smem:$0x3FFD];
	_ =	sdelay $0x3  }
0x96: {  	_ =	strace s2  }
0x97: {  	_ =	strace $0x8FFFFFFF  }
0x98: {  	s18 =	sld [smem:$0x3FDB];
	_ =	sdelay $0x1  }
0x99: {  	s19 =	simm.s32 $_scs_section_size  }
0x9a: {  	s4 =	simm.s32 $_size__tile_overlayer_lowered;
	s5 =	simm.s32 $_tile_overlayer_lowered  }
0x9b: {  	s22 =	simm.s32 $0x1BFF;
	s21 =	sshll.u32 s5, $0x1;
	s2 =	sadd.s32 s19, s18  }
0x9c: {  	s6 =	simm.s32 $0x0;
	s20 =	sshll.u32 s4, $0x1;
	s4 =	sadd.s32 s21, s2  }
0x9d: {  	[timem:s6], [sflag:s22] =	dma.local [hbm:s4], s20  }
0x9e: {  	_ =	swait.ge [sflag:s22], s20  }
0x9f: {  	s3 =	ssub.s32 $0x0, s20;
	[sflag:s22] =	ssyncset.done $0x0  }
0xa0: {  	[sflag:s22] =	ssyncadd.s32 s3;
	_ =	sdelay $0x1  }
0xa1: {  	s23 =	simm.s32 $0x1B8B  }
0xa2: {  	_ =	swait.ge [sflag:s23], $0x1  }
0xa3: {  	[sflag:s23] =	ssyncset.done $0x0  }
0xa4: {  	s25 =	simm.s32 $0x1B8E;
	s24 =	sld [smem:$0x3FFE];
	[sflag:s23] =	ssyncadd.s32 $0xFFFFFFFF  }
0xa5: {  	s26 =	simm.s32 $execute0_lowered;
	[smem:$0x3FD2] =	sst s25  }
0xa6: {  	s4 =	sshll.u32 s26, $0x1;
	_ =	strace $0x8000004C;
	[dreg:$0x1] =	wrdreg $0xFFFFFFFF  }
0xa7: {  	s28 =	simm.s32 $_size_execute0_lowered;
	s2 =	sadd.s32 s2, s4;
	[dreg:$0x0] =	wrdreg $0x0  }
0xa8: {  	s4 =	sshll.u32 s28, $0x1;
	[dreg:$0x2] =	wrdreg s2  }
0xa9: {  	[dreg:$0x3] =	wrdreg s4  }
0xaa: {  	[dreg:$0x4] =	wrdreg $0xC0  }
0xab: {  	_ =	task [dreg:s6], $0x5FFFF  }
0xac: {  	[dreg:$0x1] =	wrdreg $0xFFFFFFFF  }
0xad: {  	[dreg:$0x0] =	wrdreg $0x60  }
0xae: {  	[dreg:$0x2] =	wrdreg s24  }
0xaf: {  	[dreg:$0x3] =	wrdreg $0x29000  }
0xb0: {  	[dreg:$0x4] =	wrdreg $0x9  }
0xb1: {  	_ =	task.clear_ibuf [dreg:s6], $0x5FFFF;
	_ =	strace $0x9000004C  }
0xb2: {  	s29 =	simm.s32 $0x9;
	_ =	strace $0x8000004E  }
0xb3: {  	_ =	swait.ge [sflag:s29], $0x1  }
0xb4: {  	[sflag:s29] =	ssyncadd.s32 $0xFFFFFFFF  }
0xb5: {  	_ =	strace $0x9000004E  }
0xb6: {  	_ =	sfence  }
0xb7: {  	s30 =	sld [smem:$0x0];
	_ =	sdelay $0x2  }
0xb8: {  	s31 =	sshll.u32 s1, $0xD;
	s1 =	sshrl.u32 s1, $0x2  }
0xb9: {  	s3 =	sand.u32 $0x4000, s31;
	s1 =	sadd.s32 s1, s30  }
0xba: {  	s0 =	sor.u32 s3, s0;
	s1 =	sshll.u32 s1, $0x11  }
0xbb: {  	s0 =	sor.u32 s1, s0  }
0xbc: {  	s0 =	sadd.s32 $0x8F2B, s0  }
0xbd: {  	[sflag:s0] =	ssyncadd.remote.s32 $0x1  }
0xbe: {  	_ =	sfence.sel $0xFFFF  }
0xbf: {  	[dreg:$0x0] =	wrdreg $0xFFFFFFFF;
	(pc) =	sbr.abs _section_cstart, $3  }
0xc0: {  	[dreg:$0x1] =	wrdreg $0xFFFFFFFF  }
0xc1: {  	_ =	task.clear_ibuf [dreg:s6], $0x2FFFF;
	_ =	strace $0x9FFFFFFF  }
0xc2: {  	(tm) =	ssettm $0x7FFFFFFF  }
0xc3: {  	_ =	shalt  }
tec
execute0_lowered:
.L_overlay_start_1:
0x0: {  	(tag) =	ssettag $0x1  }
0x1: {  	s5 =	rddreg [dreg:$0x0]  }
0x2: {  	s0 =	srdreg.scid;
	s2 =	rddreg [dreg:$0x1]  }
0x3: {  	s1 =	rddreg [dreg:$0x2];
	s6 =	sand.u32 $0x1, s0  }
0x4: {  	s3 =	simm.s32 $0x0;
	s0 =	stileid.u32;
	s4 =	smul.u32 $0x27100, s6  }
0x5: {  	s13 =	simm.s32 $0x80;
	s14 =	simm.s32 $0x50;
	s7 =	smul.u32 $0x2710, s0  }
0x6: {  	s15 =	simm.s32 $0x100;
	s16 =	simm.s32 $0x1;
	s8 =	smul.u32 $0x14000, s0  }
0x7: {  	s17 =	simm.s32 $0x0;
	[smem:$0x7FF] =	sst s3;
	s9 =	smul.u32 $0x140000, s6  }
0x8: {  	_ =	strace $0x8000004D;
	s6 =	ssub.s32 $0x2, s6;
	s10 =	smul.u32 $0x50000, s0  }
0x9: {  	s31 =	sshll.u32 s0, $0x6;
	s26 =	sshrl.u32 s6, $0x1;
	s7 =	sadd.s32 s7, s4  }
0xa: {  	s4 =	sadd.s32 $0x3EC00, s5;
	s9 =	sadd.s32 s8, s9;
	s28 =	ssub.s32 s6, s26  }
0xb: {  	s29 =	sshrl.u32 s10, $0x2;
	s30 =	sshrl.u32 s8, $0x3;
	s6 =	sor.u32 $0x1C02, s31  }
0xc: {  	s7 =	sshrl.u32 s7, $0x3;
	s9 =	sshrl.u32 s9, $0x3;
	s12 =	sadd.s32 s29, s2  }
0xd: {  	s8 =	smax.u32 s28, $0x1;
	s11 =	sadd.s32 s7, s5;
	s25 =	sadd.s32 s9, s5  }
0xe: {  	s5 =	sadd.s32 s4, s30;
	s7 =	sadd.s32 $0x66C00, s25;
	s9 =	sadd.s32 $0xCE00, s11  }
0xf: {  	s10 =	sadd.s32 $0x3000, s11;
	s11 =	sshrl.u32 s12, $0x3;
	s12 =	simm.s32 $0x2  }
.LBB2_1:
0x10: {  	[spmem:s11], [sflag:s6] =	dma.local [hbm:s5], $0x2800  }
0x11: {  	_ =	swait.ge [sflag:s12], $0x2800  }
0x12: {  	[sflag:s12] =	ssyncset.done $0x0  }
0x13: {  	[sflag:s12] =	ssyncadd.s32 $0xFFFFD800  }
0x14: {  	s18 =	sadd.s32 $0x0, s10;
	[bflag:$0x0] =	sbarrier.arrive $0xFFFF  }
0x15: {  	[tilespmem:s3], [sflag:$0x2] =	stream.linear.gather [hbm4b:s18+s3], $0x50, $0x38;
	[tilespmem:$0x16900] =	vst v63  }
0x16: {  	_ =	swait.ge [sflag:s12], $0x50  }
0x17: {  	[sflag:s12] =	ssyncset.done $0x0  }
0x18: {  	s31 =	sadd.s32 $0x0, s9;
	[sflag:s12] =	ssyncadd.s32 $0xFFFFFFB0  }
0x19: {  	[tilespmem:s13], [sflag:$0x2] =	stream.linear.gather [hbm4b:s31+s3], $0x50, $0x38;
	[tilespmem:$0x16900] =	vst v63  }
0x1a: {  	_ =	swait.ge [sflag:s12], $0x50  }
0x1b: {  	[sflag:s12] =	ssyncset.done $0x0  }
0x1c: {  	[sflag:s12] =	ssyncadd.s32 $0xFFFFFFB0  }
0x1d: {  	[tilespmem:s15], [sflag:$0x1] =	stream.indirect.gather [hbm4b:s4+s14], $0x80, s3, s14, $0xb8;
	[tilespmem:$0x16900] =	vst v63  }
0x1e: {  	_ =	swait.ge [sflag:s16], $0x2800  }
0x1f: {  	[sflag:s16] =	ssyncset.done $0x0  }
0x20: {  	[sflag:s16] =	ssyncadd.s32 $0xFFFFD800  }
0x21: {  	[spmem:s2] =	stream.indirect.scatter.add.f32 [tilespmem:s15], [sflag:$0x2], $0x80, s13, s14, $0xb8;
	[tilespmem:$0x16900] =	vst v63  }
0x22: {  	_ =	swait.ge [sflag:s12], $0x2800  }
0x23: {  	s19 =	simm.s32 $0x14;
	s18 =	simm.s32 $0xA;
	[sflag:s12] =	ssyncset.done $0x0  }
.LBB2_2:
0x24: {  	s20 =	sadd.s32 s18, s10  }
0x25: {  	[sflag:s12] =	ssyncadd.s32 $0xFFFFD800;
	s21 =	smov.u32 s19;
	s22 =	sadd.s32 $0xA, s19  }
0x26: {  	[tilespmem:s3], [sflag:$0x2] =	stream.linear.gather [hbm4b:s20+s3], $0x50, $0x38;
	[tilespmem:$0x16900] =	vst v63  }
0x27: {  	p0 =	sne.s32 s19, $0x4D8;
	_ =	swait.ge [sflag:s12], $0x50  }
0x28: {  	[sflag:s12] =	ssyncset.done $0x0  }
0x29: {  	s19 =	sadd.s32 s18, s9;
	s18 =	smov.u32 s21;
	[sflag:s12] =	ssyncadd.s32 $0xFFFFFFB0  }
0x2a: {  	[tilespmem:s13], [sflag:$0x2] =	stream.linear.gather [hbm4b:s19+s3], $0x50, $0x38;
	[tilespmem:$0x16900] =	vst v63  }
0x2b: {  	_ =	swait.ge [sflag:s12], $0x50  }
0x2c: {  	[sflag:s12] =	ssyncset.done $0x0  }
0x2d: {  	[sflag:s12] =	ssyncadd.s32 $0xFFFFFFB0  }
0x2e: {  	[tilespmem:s15], [sflag:$0x1] =	stream.indirect.gather [hbm4b:s4+s14], $0x80, s3, s14, $0xb8;
	[tilespmem:$0x16900] =	vst v63  }
0x2f: {  	_ =	swait.ge [sflag:s16], $0x2800  }
.Ltmp0:
0x30: {  	[sflag:s16] =	ssyncset.done $0x0;
	(pc) =	sbr.rel @p0 .LBB2_2-.Ltmp0, $4  }
0x31: {  	[sflag:s16] =	ssyncadd.s32 $0xFFFFD800  }
0x32: {  	[spmem:s2] =	stream.indirect.scatter.add.f32 [tilespmem:s15], [sflag:$0x2], $0x80, s13, s14, $0xb8;
	[tilespmem:$0x16900] =	vst v63  }
0x33: {  	_ =	swait.ge [sflag:s12], $0x2800  }
0x34: {  	s19 =	smov.u32 s22;
	[sflag:s12] =	ssyncset.done $0x0  }
0x35: {  	s19 =	sadd.s32 s18, s10;
	[sflag:s12] =	ssyncadd.s32 $0xFFFFD800  }
0x36: {  	[tilespmem:s3], [sflag:$0x2] =	stream.linear.gather [hbm4b:s19+s3], $0x50, $0x38;
	[tilespmem:$0x16900] =	vst v63  }
0x37: {  	_ =	swait.ge [sflag:s12], $0x50  }
0x38: {  	[sflag:s12] =	ssyncset.done $0x0  }
0x39: {  	s31 =	sadd.s32 s18, s9;
	[sflag:s12] =	ssyncadd.s32 $0xFFFFFFB0  }
0x3a: {  	[tilespmem:s13], [sflag:$0x2] =	stream.linear.gather [hbm4b:s31+s3], $0x50, $0x38;
	[tilespmem:$0x16900] =	vst v63  }
0x3b: {  	_ =	swait.ge [sflag:s12], $0x50  }
0x3c: {  	[sflag:s12] =	ssyncset.done $0x0  }
0x3d: {  	[sflag:s12] =	ssyncadd.s32 $0xFFFFFFB0  }
0x3e: {  	[tilespmem:s15], [sflag:$0x1] =	stream.indirect.gather [hbm4b:s4+s14], $0x80, s3, s14, $0xb8;
	[tilespmem:$0x16900] =	vst v63  }
0x3f: {  	_ =	swait.ge [sflag:s16], $0x2800  }
0x40: {  	[sflag:s16] =	ssyncset.done $0x0  }
0x41: {  	[sflag:s16] =	ssyncadd.s32 $0xFFFFD800  }
0x42: {  	[spmem:s2] =	stream.indirect.scatter.add.f32 [tilespmem:s15], [sflag:$0x2], $0x80, s13, s14, $0xb8;
	[tilespmem:$0x16900] =	vst v63  }
0x43: {  	_ =	swait.ge [sflag:s12], $0x2800  }
0x44: {  	s17 =	sadd.s32 $0x1, s17;
	[sflag:s12] =	ssyncset.done $0x0  }
0x45: {  	p0 =	sne.s32 s17, s8;
	[sflag:s12] =	ssyncadd.s32 $0xFFFFD800  }
.Ltmp1:
0x46: {  	[bflag:$0x0] =	sbarrier.arrive $0xFFFF;
	(pc) =	sbr.rel @p0 .LBB2_1-.Ltmp1, $4  }
0x47: {  	[hbm:s7], [sflag:s6] =	dma.local [spmem:s11], $0x2800  }
0x48: {  	_ =	swait.ge [sflag:s12], $0x2800  }
0x49: {  	[sflag:s12] =	ssyncset.done $0x0  }
0x4a: {  	[sflag:s12] =	ssyncadd.s32 $0xFFFFD800  }
0x4b: {  	_ =	sfence.sel $0x180000  }
0x4c: {  	[bflag:$0x0] =	sbarrier.arrive $0xFFFF  }
0x4d: {  	p0 =	sne.s32 s0, $0x0;
	_ =	strace $0x9000004D  }
0x4e: {  	s0 =	sadd.s32 @!p0 $0x100000, s1;
	[bflag:$0x2] =	sbarrier.arrive $0xFFFF  }
0x4f: {  	[sflag:s0] =	ssyncadd.tile.s32 @!p0 $0x1;
	_ =	shalt  }
.Lfunc_end2:
_tile_overlayer_lowered:
.L_overlay_start_2:
0x50: {  	(tag) =	ssettag $0x2  }
0x51: {  	s0 =	rddreg [dreg:$0x0];
	s2 =	stileid.u32  }
0x52: {  	s1 =	rddreg [dreg:$0x1];
	p0 =	sne.s32 s2, $0x0  }
0x53: {  	s3 =	rddreg [dreg:$0x2];
	[bflag:$0x3] =	sbarrier.arrive $0xFFFF;
	s2 =	simm.s32 @!p0 $0x1C02  }
0x54: {  	[timem:s3], [sflag:s2] =	dma.local @!p0 [hbm:s0], s1  }
0x55: {  	s0 =	simm.s32 @!p0 $0x2  }
0x56: {  	_ =	swait.ge @!p0 [sflag:s0], s1  }
0x57: {  	s1 =	ssub.s32 @!p0 $0x0, s1;
	[sflag:s0] =	ssyncset.done @!p0 $0x0  }
0x58: {  	[sflag:s0] =	ssyncadd.s32 @!p0 s1  }
0x59: {  	[bflag:$0x3] =	sbarrier.arrive $0xFFFF  }
0x5a: {  	_ =	shalt  }

// kernel: kernel.8.cloned.1.call-start
scs
__scs_entry_jumppad:
0x0: {  	(pc) =	sbr.rel $0x88, $3  }
0x1: {  	(tag) =	ssettag $0x0;
	lr =	simm.s32 $0x1  }
0x2: {  	[smem:$0x3F98] =	sst lr;
	_ =	strace $0xD0000000  }
0x3: {  	_ = 	snop  }
0x4: {  	_ = 	snop  }
0x5: {  	_ = 	snop  }
0x6: {  	_ = 	snop  }
0x7: {  	_ = 	snop  }
__scs_overlays_trampoline_lowered:
0x8: {  	[smem:$0x3FA7] =	sst s0  }
0x9: {  	[smem:$0x3FA8] =	sst s1  }
0xa: {  	[smem:$0x3FA9] =	sst s2  }
0xb: {  	[smem:$0x3FAA] =	sst s3  }
0xc: {  	[smem:$0x3FAB] =	sst s4  }
0xd: {  	[smem:$0x3FAC] =	sst s5  }
0xe: {  	[smem:$0x3FAD] =	sst s6  }
0xf: {  	[smem:$0x3FAE] =	sst s7  }
0x10: {  	[smem:$0x3FAF] =	sst s8  }
0x11: {  	[smem:$0x3FB0] =	sst s9;
	s0 =	simm.s32 @!p0 $0x0  }
0x12: {  	s1 =	sld [smem:$0x3F96];
	s0 =	simm.s32 @p0 $0x1  }
0x13: {  	[smem:$0x3FB1] =	sst s0;
	s0 =	simm.s32 @!p1 $0x0  }
0x14: {  	s2 =	sld [smem:$0x3F95];
	s0 =	simm.s32 @p1 $0x1  }
0x15: {  	[smem:$0x3FB2] =	sst s0;
	s0 =	simm.s32 @!p2 $0x0  }
0x16: {  	s3 =	sld [smem:$0x3FDB];
	s0 =	simm.s32 @p2 $0x1  }
0x17: {  	s4 =	simm.s32 $0x1BF5;
	[smem:$0x3FB4] =	sst s0  }
0x18: {  	s0 =	sld [smem:$0x3F97];
	_ =	swait.ge [sflag:s4], $0x0  }
0x19: {  	s7 =	sld [smem:$0x3F98]  }
0x1a: {  	s8 =	sadd.s32 $0xFFFFE003, lr  }
0x1b: {  	s9 =	sadd.s32 $0xFFFFFEF7, lr;
	s5 =	simm.s32 $0xFFFFFFFF;
	p2 =	slt.u32 s8, $0xFFFFF086  }
0x1c: {  	p1 =	slt.u32 s9, $0xF7A;
	s5 =	simm.s32 @!p2 $0x0  }
0x1d: {  	s5 =	simm.s32 @p1 $0x1;
	p0 =	seq.s32 s7, s2  }
0x1e: {  	s7 =	smul.u32 @!p0 $0xF7A, s2;
	p2 =	seq.s32 @!p0 s5, $0x0  }
0x1f: {  	s9 =	smul.u32 $0xF7A, s1;
	s8 =	simm.s32 @!p0 $0x1BF5;
	p2 =	por !p2, p0  }
0x20: {  	[sflag:s8] =	ssyncset.s32 @!p0 $0xFFFFF086;
	s6 =	sadd.s32 @!p0 s3, s7;
	s7 =	simm.s32 @!p0 $0x108  }
0x21: {  	s3 =	sadd.s32 s3, s9;
	s6 =	sadd.s32 @!p0 $0x88, s6;
	s7 =	simm.s32 @p2 $0x1082  }
0x22: {  	[simem:s7], [sflag:s8] =	dma.local @!p0 [hbm:s6], $0xF7A  }
0x23: {  	s9 =	sor.u32 $0xD0000000, s2;
	s6 =	simm.s32 $0x108;
	_ =	swait.ge @!p0 [sflag:s8], $0x0  }
0x24: {  	s3 =	sadd.s32 $0x88, s3;
	s6 =	simm.s32 @!p1 $0x1082;
	[sflag:s4] =	ssyncset.s32 $0xFFFFF086  }
0x25: {  	[simem:s6], [sflag:s4] =	dma.local [hbm:s3], $0xF7A  }
0x26: {  	[smem:$0x3F98] =	sst s1;
	(tag) =	ssettag s2;
	_ =	strace s9  }
0x27: {  	s1 =	sld [smem:$0x3FA8]  }
0x28: {  	s2 =	sld [smem:$0x3FA9]  }
0x29: {  	s4 =	sld [smem:$0x3FAB]  }
0x2a: {  	p0 =	seq.s32 s5, $0x0;
	s5 =	sld [smem:$0x3FAC]  }
0x2b: {  	s6 =	sld [smem:$0x3FAD]  }
0x2c: {  	s7 =	sld [smem:$0x3FAE]  }
0x2d: {  	s3 =	simm.s32 $0x108;
	s8 =	sld [smem:$0x3FAF]  }
0x2e: {  	s3 =	simm.s32 @!p0 $0x1082;
	s9 =	sld [smem:$0x3FB0]  }
0x2f: {  	lr =	sadd.s32 s0, s3;
	s0 =	sld [smem:$0x3FA7]  }
0x30: {  	s3 =	sld [smem:$0x3FAA]  }
0x31: {  	[smem:$0x3FB3] =	sst s10  }
0x32: {  	s10 =	sld [smem:$0x3FB1];
	_ =	sdelay $0x3  }
0x33: {  	p0 =	seq.s32 s10, $0x1;
	s10 =	sld [smem:$0x3FB3];
	_ =	sdelay $0x3  }
0x34: {  	[smem:$0x3FB3] =	sst s10  }
0x35: {  	s10 =	sld [smem:$0x3FB2];
	_ =	sdelay $0x3  }
0x36: {  	p1 =	seq.s32 s10, $0x1;
	s10 =	sld [smem:$0x3FB3];
	_ =	sdelay $0x3  }
0x37: {  	[smem:$0x3FB3] =	sst s10  }
0x38: {  	s10 =	sld [smem:$0x3FB4]  }
0x39: {  	_ = 	snop;
	(pc) =	sbr.ind lr, $3  }
0x3a: {  	_ = 	snop  }
0x3b: {  	_ = 	snop  }
0x3c: {  	p2 =	seq.s32 s10, $0x1;
	s10 =	sld [smem:$0x3FB3]  }
0x3d: {  	_ =	shalt  }
0x3e: {  	_ =	shalt  }
0x3f: {  	_ =	shalt  }
0x40: {  	_ =	shalt  }
0x41: {  	_ =	shalt  }
0x42: {  	_ =	shalt  }
0x43: {  	_ =	shalt  }
0x44: {  	_ =	shalt  }
0x45: {  	_ =	shalt  }
0x46: {  	_ =	shalt  }
0x47: {  	_ =	shalt  }
0x48: {  	_ =	shalt  }
0x49: {  	_ =	shalt  }
0x4a: {  	_ =	shalt  }
0x4b: {  	_ =	shalt  }
0x4c: {  	_ =	shalt  }
0x4d: {  	_ =	shalt  }
0x4e: {  	_ =	shalt  }
0x4f: {  	_ =	shalt  }
0x50: {  	_ =	shalt  }
0x51: {  	_ =	shalt  }
0x52: {  	_ =	shalt  }
0x53: {  	_ =	shalt  }
0x54: {  	_ =	shalt  }
0x55: {  	_ =	shalt  }
0x56: {  	_ =	shalt  }
0x57: {  	_ =	shalt  }
0x58: {  	_ =	shalt  }
0x59: {  	_ =	shalt  }
0x5a: {  	_ =	shalt  }
0x5b: {  	_ =	shalt  }
0x5c: {  	_ =	shalt  }
0x5d: {  	_ =	shalt  }
0x5e: {  	_ =	shalt  }
0x5f: {  	_ =	shalt  }
0x60: {  	_ =	shalt  }
0x61: {  	_ =	shalt  }
0x62: {  	_ =	shalt  }
0x63: {  	_ =	shalt  }
0x64: {  	_ =	shalt  }
0x65: {  	_ =	shalt  }
0x66: {  	_ =	shalt  }
0x67: {  	_ =	shalt  }
0x68: {  	_ =	shalt  }
0x69: {  	_ =	shalt  }
0x6a: {  	_ =	shalt  }
0x6b: {  	_ =	shalt  }
0x6c: {  	_ =	shalt  }
0x6d: {  	_ =	shalt  }
0x6e: {  	_ =	shalt  }
0x6f: {  	_ =	shalt  }
0x70: {  	_ =	shalt  }
0x71: {  	_ =	shalt  }
0x72: {  	_ =	shalt  }
0x73: {  	_ =	shalt  }
0x74: {  	_ =	shalt  }
0x75: {  	_ =	shalt  }
0x76: {  	_ =	shalt  }
0x77: {  	_ =	shalt  }
0x78: {  	_ =	shalt  }
0x79: {  	_ =	shalt  }
0x7a: {  	_ =	shalt  }
0x7b: {  	_ =	shalt  }
0x7c: {  	_ =	shalt  }
0x7d: {  	_ =	shalt  }
0x7e: {  	_ =	shalt  }
0x7f: {  	_ =	shalt  }
0x80: {  	_ =	shalt  }
0x81: {  	_ =	shalt  }
0x82: {  	_ =	shalt  }
0x83: {  	_ =	shalt  }
0x84: {  	_ =	shalt  }
0x85: {  	_ =	shalt  }
0x86: {  	_ =	shalt  }
0x87: {  	_ =	shalt  }
.Lfunc_end0:
.L_simem_size_0:
called_computation_lowered:
.L_overlay_start_0:
0x88: {  	s2 =	sld [smem:$0x3FD9]  }
0x89: {  	s3 =	sld [smem:$0x3FFE];
	_ =	sdelay $0x1  }
0x8a: {  	s1 =	srdreg.scid  }
0x8b: {  	s0 =	sand.u32 $0x1, s1  }
0x8c: {  	s16 =	sshll.u32 s0, $0xA;
	s2 =	sadd.s32 s3, s2  }
0x8d: {  	s2 =	sadd.s32 s2, s16  }
0x8e: {  	[smem:$0x3FBF] =	sst s2  }
0x8f: {  	_ = 	snop  }
0x90: {  	(tm) =	ssettm $0x1  }
0x91: {  	s17 =	sld [smem:$0x3FFB];
	_ =	sdelay $0x3  }
0x92: {  	_ =	strace s17  }
0x93: {  	s2 =	sld [smem:$0x3FFC];
	_ =	sdelay $0x3  }
0x94: {  	_ =	strace s2  }
0x95: {  	s2 =	sld [smem:$0x3FFD];
	_ =	sdelay $0x3  }
0x96: {  	_ =	strace s2  }
0x97: {  	_ =	strace $0x8FFFFFFF  }
0x98: {  	s18 =	sld [smem:$0x3FDB];
	_ =	sdelay $0x1  }
0x99: {  	s19 =	simm.s32 $_scs_section_size  }
0x9a: {  	s4 =	simm.s32 $_size__tile_overlayer_lowered;
	s5 =	simm.s32 $_tile_overlayer_lowered  }
0x9b: {  	s22 =	simm.s32 $0x1BFF;
	s21 =	sshll.u32 s5, $0x1;
	s2 =	sadd.s32 s19, s18  }
0x9c: {  	s6 =	simm.s32 $0x0;
	s20 =	sshll.u32 s4, $0x1;
	s4 =	sadd.s32 s21, s2  }
0x9d: {  	[timem:s6], [sflag:s22] =	dma.local [hbm:s4], s20  }
0x9e: {  	_ =	swait.ge [sflag:s22], s20  }
0x9f: {  	s3 =	ssub.s32 $0x0, s20;
	[sflag:s22] =	ssyncset.done $0x0  }
0xa0: {  	[sflag:s22] =	ssyncadd.s32 s3;
	_ =	sdelay $0x1  }
0xa1: {  	s23 =	simm.s32 $0x1B8B  }
0xa2: {  	_ =	swait.ge [sflag:s23], $0x1  }
0xa3: {  	[sflag:s23] =	ssyncset.done $0x0  }
0xa4: {  	s25 =	simm.s32 $0x1B8E;
	s24 =	sld [smem:$0x3FFE];
	[sflag:s23] =	ssyncadd.s32 $0xFFFFFFFF  }
0xa5: {  	s26 =	simm.s32 $execute0_lowered;
	[smem:$0x3FD2] =	sst s25  }
0xa6: {  	s4 =	sshll.u32 s26, $0x1;
	_ =	strace $0x80000046;
	[dreg:$0x1] =	wrdreg $0xFFFFFFFF  }
0xa7: {  	s28 =	simm.s32 $_size_execute0_lowered;
	s2 =	sadd.s32 s2, s4;
	[dreg:$0x0] =	wrdreg $0x0  }
0xa8: {  	s4 =	sshll.u32 s28, $0x1;
	[dreg:$0x2] =	wrdreg s2  }
0xa9: {  	[dreg:$0x3] =	wrdreg s4  }
0xaa: {  	[dreg:$0x4] =	wrdreg $0xC0  }
0xab: {  	_ =	task [dreg:s6], $0x5FFFF  }
0xac: {  	[dreg:$0x1] =	wrdreg $0xFFFFFFFF  }
0xad: {  	[dreg:$0x0] =	wrdreg $0x60  }
0xae: {  	[dreg:$0x2] =	wrdreg s24  }
0xaf: {  	[dreg:$0x3] =	wrdreg $0x3800  }
0xb0: {  	[dreg:$0x4] =	wrdreg $0x9  }
0xb1: {  	_ =	task.clear_ibuf [dreg:s6], $0x5FFFF;
	_ =	strace $0x90000046  }
0xb2: {  	s29 =	simm.s32 $0x9;
	_ =	strace $0x80000048  }
0xb3: {  	_ =	swait.ge [sflag:s29], $0x1  }
0xb4: {  	[sflag:s29] =	ssyncadd.s32 $0xFFFFFFFF  }
0xb5: {  	_ =	strace $0x90000048  }
0xb6: {  	_ =	sfence  }
0xb7: {  	s30 =	sld [smem:$0x0];
	_ =	sdelay $0x2  }
0xb8: {  	s31 =	sshll.u32 s1, $0xD;
	s1 =	sshrl.u32 s1, $0x2  }
0xb9: {  	s3 =	sand.u32 $0x4000, s31;
	s1 =	sadd.s32 s1, s30  }
0xba: {  	s0 =	sor.u32 s3, s0;
	s1 =	sshll.u32 s1, $0x11  }
0xbb: {  	s0 =	sor.u32 s1, s0  }
0xbc: {  	s0 =	sadd.s32 $0x8F2B, s0  }
0xbd: {  	[sflag:s0] =	ssyncadd.remote.s32 $0x1  }
0xbe: {  	_ =	sfence.sel $0xFFFF  }
0xbf: {  	[dreg:$0x0] =	wrdreg $0xFFFFFFFF;
	(pc) =	sbr.abs _section_cstart, $3  }
0xc0: {  	[dreg:$0x1] =	wrdreg $0xFFFFFFFF  }
0xc1: {  	_ =	task.clear_ibuf [dreg:s6], $0x2FFFF;
	_ =	strace $0x9FFFFFFF  }
0xc2: {  	(tm) =	ssettm $0x7FFFFFFF  }
0xc3: {  	_ =	shalt  }
tec
execute0_lowered:
.L_overlay_start_1:
0x0: {  	(tag) =	ssettag $0x1  }
0x1: {  	s4 =	rddreg [dreg:$0x0];
	s0 =	srdreg.scid  }
0x2: {  	s2 =	rddreg [dreg:$0x1];
	s1 =	stileid.u32;
	s3 =	simm.s32 $0x0  }
0x3: {  	s10 =	simm.s32 $0x50;
	s11 =	simm.s32 $0x80;
	s14 =	simm.s32 $0x20  }
0x4: {  	s15 =	simm.s32 $0x10;
	s16 =	simm.s32 $0x0;
	s7 =	smul.u32 $0x2710, s1  }
0x5: {  	s5 =	sand.u32 $0x1, s0;
	s0 =	rddreg [dreg:$0x2];
	s8 =	smul.u32 $0x500, s1  }
0x6: {  	[smem:$0x7FF] =	sst s3;
	s26 =	smul.u32 $0xA00, s1;
	s12 =	sshll.u32 s1, $0x6  }
0x7: {  	s6 =	smul.u32 $0x27100, s5;
	s25 =	sshll.u32 s5, $0x7;
	s5 =	ssub.s32 $0x2, s5  }
0x8: {  	_ =	strace $0x80000047;
	s12 =	sor.u32 $0x1C01, s12;
	s29 =	sshrl.u32 s5, $0x1  }
0x9: {  	s30 =	sshrl.u32 s26, $0x2;
	s6 =	sadd.s32 s7, s6;
	s7 =	sor.u32 s25, s8  }
0xa: {  	s31 =	ssub.s32 s5, s29;
	s6 =	sshrl.u32 s6, $0x3;
	s28 =	sshrl.u32 s7, $0x3  }
0xb: {  	s8 =	simm.s32 $0x100;
	s9 =	sadd.s32 s6, s4;
	s6 =	sadd.s32 s28, s4  }
0xc: {  	s4 =	sadd.s32 s30, s2;
	s5 =	sadd.s32 $0x16C00, s6;
	s6 =	smax.u32 s31, $0x1  }
0xd: {  	v0 =	vimm.f32 $1.000000000e+00;
	v1 =	vimm.f32 $0.0e+00;
	s7 =	sadd.s32 $0xCE00, s9;
	s9 =	simm.s32 $0x1;
	s13 =	sshrl.u32 s4, $0x3  }
.LBB2_1:
0xe: {  	[tilespmem:$0x80] =	vst v0  }
0xf: {  	[tilespmem:$0x90] =	vst v0  }
0x10: {  	[tilespmem:$0xA0] =	vst v0  }
0x11: {  	[tilespmem:$0xB0] =	vst v0  }
0x12: {  	[tilespmem:$0xC0] =	vst v0  }
0x13: {  	[tilespmem:$0x100] =	vst v1  }
0x14: {  	[tilespmem:$0x110] =	vst v1  }
0x15: {  	[tilespmem:$0x120] =	vst v1  }
0x16: {  	[tilespmem:$0x130] =	vst v1  }
0x17: {  	[tilespmem:$0x140] =	vst v1  }
0x18: {  	[tilespmem:$0x150] =	vst v1  }
0x19: {  	[tilespmem:$0x160] =	vst v1  }
0x1a: {  	[tilespmem:$0x170] =	vst v1  }
0x1b: {  	[tilespmem:$0x180] =	vst v1  }
0x1c: {  	[tilespmem:$0x190] =	vst v1  }
0x1d: {  	[tilespmem:$0x1A0] =	vst v1  }
0x1e: {  	[tilespmem:$0x1B0] =	vst v1  }
0x1f: {  	[tilespmem:$0x1C0] =	vst v1  }
0x20: {  	[tilespmem:$0x1D0] =	vst v1  }
0x21: {  	[tilespmem:$0x1E0] =	vst v1  }
0x22: {  	[tilespmem:$0x1F0] =	vst v1  }
0x23: {  	[tilespmem:$0x200] =	vst v1  }
0x24: {  	[tilespmem:$0x210] =	vst v1  }
0x25: {  	[tilespmem:$0x220] =	vst v1  }
0x26: {  	[tilespmem:$0x230] =	vst v1  }
0x27: {  	[tilespmem:$0x240] =	vst v1  }
0x28: {  	[tilespmem:$0x250] =	vst v1  }
0x29: {  	[tilespmem:$0x260] =	vst v1  }
0x2a: {  	[tilespmem:$0x270] =	vst v1  }
0x2b: {  	[tilespmem:$0x280] =	vst v1  }
0x2c: {  	[tilespmem:$0x290] =	vst v1  }
0x2d: {  	[tilespmem:$0x2A0] =	vst v1  }
0x2e: {  	[tilespmem:$0x2B0] =	vst v1  }
0x2f: {  	[tilespmem:$0x2C0] =	vst v1  }
0x30: {  	[tilespmem:$0x2D0] =	vst v1  }
0x31: {  	[tilespmem:$0x2E0] =	vst v1  }
0x32: {  	[tilespmem:$0x2F0] =	vst v1  }
0x33: {  	[tilespmem:$0x300] =	vst v1  }
0x34: {  	[tilespmem:$0x310] =	vst v1  }
0x35: {  	[tilespmem:$0x320] =	vst v1  }
0x36: {  	[tilespmem:$0x330] =	vst v1  }
0x37: {  	[tilespmem:$0x340] =	vst v1  }
0x38: {  	[tilespmem:$0x350] =	vst v1  }
0x39: {  	[tilespmem:$0x360] =	vst v1  }
0x3a: {  	[tilespmem:$0x370] =	vst v1  }
0x3b: {  	[spmem:s4] =	stream.linear.scatter [tilespmem:s8], [sflag:$0x1], $0x280, $0x38;
	[tilespmem:$0x600] =	vst v63  }
0x3c: {  	_ =	swait.ge [sflag:s9], $0x280  }
0x3d: {  	[sflag:s9] =	ssyncset.done $0x0  }
0x3e: {  	[sflag:s9] =	ssyncadd.s32 $0xFFFFFD80  }
0x3f: {  	s17 =	sadd.s32 $0x0, s7;
	[bflag:$0x0] =	sbarrier.arrive $0xFFFF  }
0x40: {  	[tilespmem:s3], [sflag:$0x1] =	stream.linear.gather [hbm4b:s17+s3], $0x50, $0x38;
	[tilespmem:$0x600] =	vst v63  }
0x41: {  	_ =	swait.ge [sflag:s9], $0x50  }
0x42: {  	[sflag:s9] =	ssyncset.done $0x0  }
0x43: {  	[sflag:s9] =	ssyncadd.s32 $0xFFFFFFB0  }
0x44: {  	[spmem:s2] =	stream.indirect.scatter.add.f32 [tilespmem:s11], [sflag:$0x1], $0x1, s3, s10, $0xb8;
	[tilespmem:$0x600] =	vst v63  }
0x45: {  	_ =	swait.ge [sflag:s9], $0x50  }
0x46: {  	s18 =	simm.s32 $0x14;
	s17 =	simm.s32 $0xA;
	[sflag:s9] =	ssyncset.done $0x0  }
.LBB2_2:
0x47: {  	s19 =	sadd.s32 s17, s7  }
0x48: {  	[sflag:s9] =	ssyncadd.s32 $0xFFFFFFB0;
	s17 =	smov.u32 s18;
	s20 =	sadd.s32 $0xA, s18  }
0x49: {  	[tilespmem:s3], [sflag:$0x1] =	stream.linear.gather [hbm4b:s19+s3], $0x50, $0x38;
	[tilespmem:$0x600] =	vst v63  }
0x4a: {  	p0 =	sne.s32 s18, $0x4D8;
	_ =	swait.ge [sflag:s9], $0x50  }
.Ltmp0:
0x4b: {  	[sflag:s9] =	ssyncset.done $0x0;
	(pc) =	sbr.rel @p0 .LBB2_2-.Ltmp0, $4  }
0x4c: {  	[sflag:s9] =	ssyncadd.s32 $0xFFFFFFB0  }
0x4d: {  	[spmem:s2] =	stream.indirect.scatter.add.f32 [tilespmem:s11], [sflag:$0x1], $0x1, s3, s10, $0xb8;
	[tilespmem:$0x600] =	vst v63  }
0x4e: {  	_ =	swait.ge [sflag:s9], $0x50  }
0x4f: {  	s18 =	smov.u32 s20;
	[sflag:s9] =	ssyncset.done $0x0  }
0x50: {  	s17 =	sadd.s32 s17, s7;
	[sflag:s9] =	ssyncadd.s32 $0xFFFFFFB0  }
0x51: {  	[tilespmem:s3], [sflag:$0x1] =	stream.linear.gather [hbm4b:s17+s3], $0x50, $0x38;
	[tilespmem:$0x600] =	vst v63  }
0x52: {  	_ =	swait.ge [sflag:s9], $0x50  }
0x53: {  	[sflag:s9] =	ssyncset.done $0x0  }
0x54: {  	[sflag:s9] =	ssyncadd.s32 $0xFFFFFFB0  }
0x55: {  	[spmem:s2] =	stream.indirect.scatter.add.f32 [tilespmem:s11], [sflag:$0x1], $0x1, s3, s10, $0xb8;
	[tilespmem:$0x600] =	vst v63  }
0x56: {  	_ =	swait.ge [sflag:s9], $0x50  }
0x57: {  	s16 =	sadd.s32 $0x1, s16;
	[sflag:s9] =	ssyncset.done $0x0  }
0x58: {  	p0 =	sne.s32 s16, s6;
	[sflag:s9] =	ssyncadd.s32 $0xFFFFFFB0  }
.Ltmp1:
0x59: {  	[bflag:$0x0] =	sbarrier.arrive $0xFFFF;
	(pc) =	sbr.rel @p0 .LBB2_1-.Ltmp1, $4  }
0x5a: {  	[hbm:s5@s14], [sflag:s12] =	dma.strided [spmem:s13@s15], $0x50, s9, $0x10   }
0x5b: {  	_ =	swait.ge [sflag:s9], $0x50  }
0x5c: {  	[sflag:s9] =	ssyncset.done $0x0  }
0x5d: {  	[sflag:s9] =	ssyncadd.s32 $0xFFFFFFB0  }
0x5e: {  	_ =	sfence.sel $0x180000  }
0x5f: {  	[bflag:$0x0] =	sbarrier.arrive $0xFFFF  }
0x60: {  	p0 =	sne.s32 s1, $0x0;
	_ =	strace $0x90000047  }
0x61: {  	s0 =	sadd.s32 @!p0 $0x100000, s0;
	[bflag:$0x2] =	sbarrier.arrive $0xFFFF  }
0x62: {  	[sflag:s0] =	ssyncadd.tile.s32 @!p0 $0x1;
	_ =	shalt  }
.Lfunc_end2:
_tile_overlayer_lowered:
.L_overlay_start_2:
0x63: {  	(tag) =	ssettag $0x2  }
0x64: {  	s0 =	rddreg [dreg:$0x0];
	s2 =	stileid.u32  }
0x65: {  	s1 =	rddreg [dreg:$0x1];
	p0 =	sne.s32 s2, $0x0  }
0x66: {  	s3 =	rddreg [dreg:$0x2];
	[bflag:$0x3] =	sbarrier.arrive $0xFFFF;
	s2 =	simm.s32 @!p0 $0x1C01  }
0x67: {  	[timem:s3], [sflag:s2] =	dma.local @!p0 [hbm:s0], s1  }
0x68: {  	s0 =	simm.s32 @!p0 $0x1  }
0x69: {  	_ =	swait.ge @!p0 [sflag:s0], s1  }
0x6a: {  	s1 =	ssub.s32 @!p0 $0x0, s1;
	[sflag:s0] =	ssyncset.done @!p0 $0x0  }
0x6b: {  	[sflag:s0] =	ssyncadd.s32 @!p0 s1  }
0x6c: {  	[bflag:$0x3] =	sbarrier.arrive $0xFFFF  }
0x6d: {  	_ =	shalt  }

</sc_bundles>
